<compile_context>
chip_gen: v7x
topology: tpu7x:2x2x1
jax: 0.10.2.dev20260603
libtpu: 0.0.44.dev20260713+nightly
codegen_flags: <defaults>
</compile_context>

<pallas_src>
import functools

import jax
import jax.numpy as jnp
from jax import lax
from jax.experimental import pallas as pl
from jax.experimental.pallas import tpu as pltpu
from jax.experimental.pallas import tpu_sc as plsc

N = 10000
E = 320000
D = 128

NC = 2
NS = 16
NW = NC * NS

CHUNK = 80
E_PER_TILE = E // NW
N_CHUNKS = E_PER_TILE // CHUNK
NBUF = 3

ROWS_A = 624
ROWS_LAST = N - (NS - 1) * ROWS_A


def _sc_body(x_hbm, src_hbm, dst_hbm, part_hbm,
             sidx, didx, rows, acc, gsems):
    c = lax.axis_index("c")
    s = lax.axis_index("s")
    wid = c * NS + s

    pltpu.sync_copy(src_hbm.at[wid], sidx)
    pltpu.sync_copy(dst_hbm.at[wid], didx)

    zvec = jnp.zeros((16,), jnp.float32)

    @pl.loop(0, CHUNK)
    def _zrow(r):
        for j in range(D // 16):
            rows[0][r, pl.ds(j * 16, 16)] = zvec

    for q in range(ROWS_A // CHUNK):
        pltpu.sync_copy(rows[0], acc.at[pl.ds(s * ROWS_A + q * CHUNK, CHUNK)])
    _rem = ROWS_A % CHUNK

    @pl.when(s < NS - 1)
    def _():
        pltpu.sync_copy(
            rows[0].at[pl.ds(0, _rem)],
            acc.at[pl.ds(s * ROWS_A + ROWS_A - _rem, _rem)])

    @pl.when(s == NS - 1)
    def _():
        pltpu.sync_copy(rows[0],
                        acc.at[pl.ds(N - CHUNK, CHUNK)])

    plsc.subcore_barrier()

    def gather(j, b):
        pltpu.async_copy(x_hbm.at[sidx.at[pl.ds(j * CHUNK, CHUNK)]],
                         rows[b], gsems[b])

    def gather_wait(j, b):
        pltpu.make_async_copy(x_hbm.at[sidx.at[pl.ds(j * CHUNK, CHUNK)]],
                              rows[b], gsems[b]).wait()

    def scatter(j, b):
        pltpu.sync_copy(rows[b], acc.at[didx.at[pl.ds(j * CHUNK, CHUNK)]],
                        add=True)

    def step(j, b):
        gather_wait(j, b)
        scatter(j, b)

        @pl.when(j + NBUF < N_CHUNKS)
        def _():
            gather(j + NBUF, b)

    for j in range(NBUF):
        gather(j, j)

    @pl.loop(0, N_CHUNKS - 2, step=NBUF)
    def _group(i):
        for k in range(NBUF):
            step(i + k, k)

    step(N_CHUNKS - 2, (N_CHUNKS - 2) % NBUF)
    step(N_CHUNKS - 1, (N_CHUNKS - 1) % NBUF)

    plsc.subcore_barrier()

    @pl.when(s < NS - 1)
    def _():
        r0 = s * ROWS_A
        pltpu.sync_copy(acc.at[pl.ds(r0, ROWS_A)],
                        part_hbm.at[pl.ds(c * N + r0, ROWS_A)])

    @pl.when(s == NS - 1)
    def _():
        r0 = (NS - 1) * ROWS_A
        pltpu.sync_copy(acc.at[pl.ds(r0, ROWS_LAST)],
                        part_hbm.at[pl.ds(c * N + r0, ROWS_LAST)])


_sc_segment_sum = functools.partial(
    pl.kernel,
    out_type=jax.ShapeDtypeStruct((NC * N, D), jnp.float32),
    mesh=plsc.VectorSubcoreMesh(core_axis_name="c", subcore_axis_name="s"),
    scratch_types=[
        pltpu.VMEM((E_PER_TILE,), jnp.int32),
        pltpu.VMEM((E_PER_TILE,), jnp.int32),
        [pltpu.VMEM((CHUNK, D), jnp.float32) for _ in range(NBUF)],
        pltpu.VMEM_SHARED((N, D), jnp.float32),
        [pltpu.SemaphoreType.DMA for _ in range(NBUF)],
    ],
)(_sc_body)


def _combine_body(p0_ref, p1_ref, w_ref, o_ref):
    o_ref[...] = (p0_ref[...] + p1_ref[...]) * w_ref[...]


_BLK = 2000


def _combine(partials, w):
    return pl.pallas_call(
        _combine_body,
        grid=(N // _BLK,),
        in_specs=[
            pl.BlockSpec((_BLK, D), lambda i: (i, 0)),
            pl.BlockSpec((_BLK, D), lambda i: (i + N // _BLK, 0)),
            pl.BlockSpec((1, D), lambda i: (0, 0)),
        ],
        out_specs=pl.BlockSpec((_BLK, D), lambda i: (i, 0)),
        out_shape=jax.ShapeDtypeStruct((N, D), jnp.float32),
    )(partials, partials, w)


@jax.jit
def kernel(feature_matrix, edge_index, w):
    x = jnp.squeeze(feature_matrix)
    src = edge_index[0].reshape(NW, E_PER_TILE)
    dst = edge_index[1].reshape(NW, E_PER_TILE)
    partials = _sc_segment_sum(x, src, dst)
    return _combine(partials, w)

# --- scband reference (transcript-rebuilt; emitter-appended) ---
"""Pipeline reference for scband-gcnlayer-34445637714018 (READ-ONLY COPY).

The authoritative reference and input builder live on the scoring server;
editing this copy changes nothing except your own understanding.
"""

import jax, jax.numpy as jnp
import numpy as np

N_NODES = 10000
N_EDGES = 320000
D_FEAT = 128


def setup_inputs(seed: int = 0) -> dict:
    key = jax.random.key(seed)
    k1, k2, k3 = jax.random.split(key, 3)
    feature_matrix = jax.random.normal(k1, (N_NODES, D_FEAT), dtype=jnp.float32)
    edge_index = jax.random.randint(k2, (2, N_EDGES), 0, N_NODES, dtype=jnp.int32)
    # learned param w: shape (1, input_dim), RandomNormal init (keras default stddev=0.05)
    w = jax.random.normal(k3, (1, D_FEAT), dtype=jnp.float32) * 0.05
    return {"feature_matrix": feature_matrix, "edge_index": edge_index, "w": w}


def reference(feature_matrix, edge_index, w):
    # GCNLayer.call (training=True path):
    #   feature_matrix = tf.squeeze(feature_matrix)
    #   ax = tf.sparse.sparse_dense_matmul(cast(adj_m, float), feature_matrix)
    #   z = ax * w
    # adj_m is a binary sparse COO adjacency represented here as edge_index[2, E]
    # with implicit value 1.0; spmv = gather rows by src then scatter-add into dst.
    x = jnp.squeeze(feature_matrix)
    src = edge_index[0]
    dst = edge_index[1]
    gathered = jnp.take(x, src, axis=0)  # [E, d]
    ax = jax.ops.segment_sum(gathered, dst, num_segments=N_NODES)  # [N, d]
    z = ax * w  # broadcast elementwise scale by learned (1, d) weight
    return z

if __name__ == "__main__":
    import jax
    _d = setup_inputs()
    print(jax.jit(kernel)(*tuple(_d.values())))

</pallas_src>

<mosaic_0001>
#map = affine_map<(d0, d1) -> (0, 0)>
module attributes {stable_mosaic.version = 14 : i64} {
  func.func @_sc_body(%arg0: i32, %arg1: i32, %arg2: memref<10000x128xf32, #tpu.memory_space<hbm>>, %arg3: memref<32x10000xi32, #tpu.memory_space<hbm>>, %arg4: memref<32x10000xi32, #tpu.memory_space<hbm>>, %arg5: memref<20000x128xf32, #tpu.memory_space<hbm>>, %arg6: memref<10000xi32, #tpu.memory_space<vmem>>, %arg7: memref<10000xi32, #tpu.memory_space<vmem>>, %arg8: memref<80x128xf32, #tpu.memory_space<vmem>>, %arg9: memref<80x128xf32, #tpu.memory_space<vmem>>, %arg10: memref<80x128xf32, #tpu.memory_space<vmem>>, %arg11: memref<10000x128xf32, #tpu.memory_space<vmem_shared>>, %arg12: memref<!tpu.dma_semaphore, #tpu.memory_space<semaphore_mem>>, %arg13: memref<!tpu.dma_semaphore, #tpu.memory_space<semaphore_mem>>, %arg14: memref<!tpu.dma_semaphore, #tpu.memory_space<semaphore_mem>>) attributes {dimension_semantics = [#tpu.dimension_semantics<core_parallel>, #tpu.dimension_semantics<subcore_parallel>], iteration_bounds = array<i64: 2, 16>, scalar_prefetch = 0 : i64, scratch_operands = 9 : i64, tpu.core_type = #tpu.core_type<sc_vector_subcore>, window_params = [{transform_indices = #map}, {transform_indices = #map}, {transform_indices = #map}, {transform_indices = #map}]} {
    %mul3A = arith.constant 16 : i32
    %mul3A_0 = arith.muli %arg0, %mul3A : i32
    %add3A = arith.addi %mul3A_0, %arg1 : i32
    "tpu.region"() ({
      %run_scoped3A = tpu.sem_alloc : memref<!tpu.dma_semaphore, #tpu.memory_space<semaphore_mem>>
      %dma_start3A_79 = arith.constant 0 : i32
      %dma_start3A_80 = tpu.memref_slice %arg3[%add3A, %dma_start3A_79] : memref<32x10000xi32, #tpu.memory_space<hbm>> -> memref<1x10000xi32, #tpu.memory_space<hbm>>
      %dma_start3A_81 = tpu.memref_squeeze %dma_start3A_80 : memref<1x10000xi32, #tpu.memory_space<hbm>> -> memref<10000xi32, #tpu.memory_space<hbm>>
      %dma_start3A_82 = arith.constant 0 : i32
      %dma_start3A_83 = tpu.memref_slice %arg3[%add3A, %dma_start3A_82] : memref<32x10000xi32, #tpu.memory_space<hbm>> -> memref<1x10000xi32, #tpu.memory_space<hbm>>
      %dma_start3A_84 = tpu.memref_squeeze %dma_start3A_83 : memref<1x10000xi32, #tpu.memory_space<hbm>> -> memref<10000xi32, #tpu.memory_space<hbm>>
      tpu.enqueue_dma source(%dma_start3A_84 : memref<10000xi32, #tpu.memory_space<hbm>>) target(%arg6 : memref<10000xi32, #tpu.memory_space<vmem>>) target_semaphore(%run_scoped3A : memref<!tpu.dma_semaphore, #tpu.memory_space<semaphore_mem>>)
      %dma_wait3A_85 = arith.constant 0 : i32
      %dma_wait3A_86 = tpu.memref_slice %arg3[%add3A, %dma_wait3A_85] : memref<32x10000xi32, #tpu.memory_space<hbm>> -> memref<1x10000xi32, #tpu.memory_space<hbm>>
      %dma_wait3A_87 = tpu.memref_squeeze %dma_wait3A_86 : memref<1x10000xi32, #tpu.memory_space<hbm>> -> memref<10000xi32, #tpu.memory_space<hbm>>
      %dma_wait3A_88 = arith.constant 0 : i32
      %dma_wait3A_89 = tpu.memref_slice %arg3[%add3A, %dma_wait3A_88] : memref<32x10000xi32, #tpu.memory_space<hbm>> -> memref<1x10000xi32, #tpu.memory_space<hbm>>
      %dma_wait3A_90 = tpu.memref_squeeze %dma_wait3A_89 : memref<1x10000xi32, #tpu.memory_space<hbm>> -> memref<10000xi32, #tpu.memory_space<hbm>>
      tpu.wait_dma2 semaphore(%run_scoped3A : memref<!tpu.dma_semaphore, #tpu.memory_space<semaphore_mem>>) src(%dma_wait3A_90 : memref<10000xi32, #tpu.memory_space<hbm>>) dst(%arg6 : memref<10000xi32, #tpu.memory_space<vmem>>)
      tpu.yield
    }) : () -> ()
    "tpu.region"() ({
      %run_scoped3A = tpu.sem_alloc : memref<!tpu.dma_semaphore, #tpu.memory_space<semaphore_mem>>
      %dma_start3A_79 = arith.constant 0 : i32
      %dma_start3A_80 = tpu.memref_slice %arg4[%add3A, %dma_start3A_79] : memref<32x10000xi32, #tpu.memory_space<hbm>> -> memref<1x10000xi32, #tpu.memory_space<hbm>>
      %dma_start3A_81 = tpu.memref_squeeze %dma_start3A_80 : memref<1x10000xi32, #tpu.memory_space<hbm>> -> memref<10000xi32, #tpu.memory_space<hbm>>
      %dma_start3A_82 = arith.constant 0 : i32
      %dma_start3A_83 = tpu.memref_slice %arg4[%add3A, %dma_start3A_82] : memref<32x10000xi32, #tpu.memory_space<hbm>> -> memref<1x10000xi32, #tpu.memory_space<hbm>>
      %dma_start3A_84 = tpu.memref_squeeze %dma_start3A_83 : memref<1x10000xi32, #tpu.memory_space<hbm>> -> memref<10000xi32, #tpu.memory_space<hbm>>
      tpu.enqueue_dma source(%dma_start3A_84 : memref<10000xi32, #tpu.memory_space<hbm>>) target(%arg7 : memref<10000xi32, #tpu.memory_space<vmem>>) target_semaphore(%run_scoped3A : memref<!tpu.dma_semaphore, #tpu.memory_space<semaphore_mem>>)
      %dma_wait3A_85 = arith.constant 0 : i32
      %dma_wait3A_86 = tpu.memref_slice %arg4[%add3A, %dma_wait3A_85] : memref<32x10000xi32, #tpu.memory_space<hbm>> -> memref<1x10000xi32, #tpu.memory_space<hbm>>
      %dma_wait3A_87 = tpu.memref_squeeze %dma_wait3A_86 : memref<1x10000xi32, #tpu.memory_space<hbm>> -> memref<10000xi32, #tpu.memory_space<hbm>>
      %dma_wait3A_88 = arith.constant 0 : i32
      %dma_wait3A_89 = tpu.memref_slice %arg4[%add3A, %dma_wait3A_88] : memref<32x10000xi32, #tpu.memory_space<hbm>> -> memref<1x10000xi32, #tpu.memory_space<hbm>>
      %dma_wait3A_90 = tpu.memref_squeeze %dma_wait3A_89 : memref<1x10000xi32, #tpu.memory_space<hbm>> -> memref<10000xi32, #tpu.memory_space<hbm>>
      tpu.wait_dma2 semaphore(%run_scoped3A : memref<!tpu.dma_semaphore, #tpu.memory_space<semaphore_mem>>) src(%dma_wait3A_90 : memref<10000xi32, #tpu.memory_space<hbm>>) dst(%arg7 : memref<10000xi32, #tpu.memory_space<vmem>>)
      tpu.yield
    }) : () -> ()
    %broadcast_in_dim3A = arith.constant 0.000000e+00 : f32
    %broadcast_in_dim3A_1 = vector.broadcast %broadcast_in_dim3A : f32 to vector<16xf32>
    %scan3A = arith.constant 0 : i32
    %scan3A_2 = arith.constant 80 : i32
    %scan3A_3 = arith.addi %scan3A, %scan3A_2 : i32
    %scan3A_4 = arith.constant 1 : i32
    scf.for %scan3A_79 = %scan3A to %scan3A_3 step %scan3A_4  : i32 {
      %mul3A_80 = arith.constant 1 : i32
      %mul3A_81 = arith.muli %scan3A_79, %mul3A_80 : i32
      %add3A_82 = arith.constant 0 : i32
      %add3A_83 = arith.addi %add3A_82, %mul3A_81 : i32
      %swap3A = arith.index_cast %add3A_83 : i32 to index
      %swap3A_84 = arith.constant 0 : index
      %swap3A_85 = tpu.vector_load %arg8[%swap3A, %swap3A_84] {strides = array<i32>} : memref<80x128xf32, #tpu.memory_space<vmem>>, vector<1x16xf32>,
      %swap3A_86 = vector.shape_cast %swap3A_85 : vector<1x16xf32> to vector<16xf32>
      %swap3A_87 = vector.shape_cast %broadcast_in_dim3A_1 : vector<16xf32> to vector<1x16xf32>
      tpu.vector_store %arg8[%swap3A, %swap3A_84], %swap3A_87 {strides = array<i32>} : memref<80x128xf32, #tpu.memory_space<vmem>>, vector<1x16xf32>,
      %swap3A_88 = arith.index_cast %add3A_83 : i32 to index
      %swap3A_89 = arith.constant 16 : index
      %swap3A_90 = tpu.vector_load %arg8[%swap3A_88, %swap3A_89] {strides = array<i32>} : memref<80x128xf32, #tpu.memory_space<vmem>>, vector<1x16xf32>,
      %swap3A_91 = vector.shape_cast %swap3A_90 : vector<1x16xf32> to vector<16xf32>
      %swap3A_92 = vector.shape_cast %broadcast_in_dim3A_1 : vector<16xf32> to vector<1x16xf32>
      tpu.vector_store %arg8[%swap3A_88, %swap3A_89], %swap3A_92 {strides = array<i32>} : memref<80x128xf32, #tpu.memory_space<vmem>>, vector<1x16xf32>,
      %swap3A_93 = arith.index_cast %add3A_83 : i32 to index
      %swap3A_94 = arith.constant 32 : index
      %swap3A_95 = tpu.vector_load %arg8[%swap3A_93, %swap3A_94] {strides = array<i32>} : memref<80x128xf32, #tpu.memory_space<vmem>>, vector<1x16xf32>,
      %swap3A_96 = vector.shape_cast %swap3A_95 : vector<1x16xf32> to vector<16xf32>
      %swap3A_97 = vector.shape_cast %broadcast_in_dim3A_1 : vector<16xf32> to vector<1x16xf32>
      tpu.vector_store %arg8[%swap3A_93, %swap3A_94], %swap3A_97 {strides = array<i32>} : memref<80x128xf32, #tpu.memory_space<vmem>>, vector<1x16xf32>,
      %swap3A_98 = arith.index_cast %add3A_83 : i32 to index
      %swap3A_99 = arith.constant 48 : index
      %swap3A_100 = tpu.vector_load %arg8[%swap3A_98, %swap3A_99] {strides = array<i32>} : memref<80x128xf32, #tpu.memory_space<vmem>>, vector<1x16xf32>,
      %swap3A_101 = vector.shape_cast %swap3A_100 : vector<1x16xf32> to vector<16xf32>
      %swap3A_102 = vector.shape_cast %broadcast_in_dim3A_1 : vector<16xf32> to vector<1x16xf32>
      tpu.vector_store %arg8[%swap3A_98, %swap3A_99], %swap3A_102 {strides = array<i32>} : memref<80x128xf32, #tpu.memory_space<vmem>>, vector<1x16xf32>,
      %swap3A_103 = arith.index_cast %add3A_83 : i32 to index
      %swap3A_104 = arith.constant 64 : index
      %swap3A_105 = tpu.vector_load %arg8[%swap3A_103, %swap3A_104] {strides = array<i32>} : memref<80x128xf32, #tpu.memory_space<vmem>>, vector<1x16xf32>,
      %swap3A_106 = vector.shape_cast %swap3A_105 : vector<1x16xf32> to vector<16xf32>
      %swap3A_107 = vector.shape_cast %broadcast_in_dim3A_1 : vector<16xf32> to vector<1x16xf32>
      tpu.vector_store %arg8[%swap3A_103, %swap3A_104], %swap3A_107 {strides = array<i32>} : memref<80x128xf32, #tpu.memory_space<vmem>>, vector<1x16xf32>,
      %swap3A_108 = arith.index_cast %add3A_83 : i32 to index
      %swap3A_109 = arith.constant 80 : index
      %swap3A_110 = tpu.vector_load %arg8[%swap3A_108, %swap3A_109] {strides = array<i32>} : memref<80x128xf32, #tpu.memory_space<vmem>>, vector<1x16xf32>,
      %swap3A_111 = vector.shape_cast %swap3A_110 : vector<1x16xf32> to vector<16xf32>
      %swap3A_112 = vector.shape_cast %broadcast_in_dim3A_1 : vector<16xf32> to vector<1x16xf32>
      tpu.vector_store %arg8[%swap3A_108, %swap3A_109], %swap3A_112 {strides = array<i32>} : memref<80x128xf32, #tpu.memory_space<vmem>>, vector<1x16xf32>,
      %swap3A_113 = arith.index_cast %add3A_83 : i32 to index
      %swap3A_114 = arith.constant 96 : index
      %swap3A_115 = tpu.vector_load %arg8[%swap3A_113, %swap3A_114] {strides = array<i32>} : memref<80x128xf32, #tpu.memory_space<vmem>>, vector<1x16xf32>,
      %swap3A_116 = vector.shape_cast %swap3A_115 : vector<1x16xf32> to vector<16xf32>
      %swap3A_117 = vector.shape_cast %broadcast_in_dim3A_1 : vector<16xf32> to vector<1x16xf32>
      tpu.vector_store %arg8[%swap3A_113, %swap3A_114], %swap3A_117 {strides = array<i32>} : memref<80x128xf32, #tpu.memory_space<vmem>>, vector<1x16xf32>,
      %swap3A_118 = arith.index_cast %add3A_83 : i32 to index
      %swap3A_119 = arith.constant 112 : index
      %swap3A_120 = tpu.vector_load %arg8[%swap3A_118, %swap3A_119] {strides = array<i32>} : memref<80x128xf32, #tpu.memory_space<vmem>>, vector<1x16xf32>,
      %swap3A_121 = vector.shape_cast %swap3A_120 : vector<1x16xf32> to vector<16xf32>
      %swap3A_122 = vector.shape_cast %broadcast_in_dim3A_1 : vector<16xf32> to vector<1x16xf32>
      tpu.vector_store %arg8[%swap3A_118, %swap3A_119], %swap3A_122 {strides = array<i32>} : memref<80x128xf32, #tpu.memory_space<vmem>>, vector<1x16xf32>,
    }
    %scan3A_5 = arith.constant 80 : i32
    %mul3A_6 = arith.constant 624 : i32
    %mul3A_7 = arith.muli %arg1, %mul3A_6 : i32
    %add3A_8 = arith.constant 0 : i32
    %add3A_9 = arith.addi %mul3A_7, %add3A_8 : i32
    "tpu.region"() ({
      %run_scoped3A = tpu.sem_alloc : memref<!tpu.dma_semaphore, #tpu.memory_space<semaphore_mem>>
      %dma_start3A_79 = arith.constant 0 : i32
      %dma_start3A_80 = tpu.memref_slice %arg11[%add3A_9, %dma_start3A_79] : memref<10000x128xf32, #tpu.memory_space<vmem_shared>> -> memref<80x128xf32, #tpu.memory_space<vmem_shared>>
      %dma_start3A_81 = arith.constant 0 : i32
      %dma_start3A_82 = tpu.memref_slice %arg11[%add3A_9, %dma_start3A_81] : memref<10000x128xf32, #tpu.memory_space<vmem_shared>> -> memref<80x128xf32, #tpu.memory_space<vmem_shared>>
      tpu.enqueue_dma source(%arg8 : memref<80x128xf32, #tpu.memory_space<vmem>>) target(%dma_start3A_82 : memref<80x128xf32, #tpu.memory_space<vmem_shared>>) target_semaphore(%run_scoped3A : memref<!tpu.dma_semaphore, #tpu.memory_space<semaphore_mem>>)
      %dma_wait3A_83 = arith.constant 0 : i32
      %dma_wait3A_84 = tpu.memref_slice %arg11[%add3A_9, %dma_wait3A_83] : memref<10000x128xf32, #tpu.memory_space<vmem_shared>> -> memref<80x128xf32, #tpu.memory_space<vmem_shared>>
      %dma_wait3A_85 = arith.constant 0 : i32
      %dma_wait3A_86 = tpu.memref_slice %arg11[%add3A_9, %dma_wait3A_85] : memref<10000x128xf32, #tpu.memory_space<vmem_shared>> -> memref<80x128xf32, #tpu.memory_space<vmem_shared>>
      tpu.wait_dma2 semaphore(%run_scoped3A : memref<!tpu.dma_semaphore, #tpu.memory_space<semaphore_mem>>) src(%arg8 : memref<80x128xf32, #tpu.memory_space<vmem>>) dst(%dma_wait3A_86 : memref<80x128xf32, #tpu.memory_space<vmem_shared>>)
      tpu.yield
    }) : () -> ()
    %mul3A_10 = arith.constant 624 : i32
    %mul3A_11 = arith.muli %arg1, %mul3A_10 : i32
    %add3A_12 = arith.constant 80 : i32
    %add3A_13 = arith.addi %mul3A_11, %add3A_12 : i32
    "tpu.region"() ({
      %run_scoped3A = tpu.sem_alloc : memref<!tpu.dma_semaphore, #tpu.memory_space<semaphore_mem>>
      %dma_start3A_79 = arith.constant 0 : i32
      %dma_start3A_80 = tpu.memref_slice %arg11[%add3A_13, %dma_start3A_79] : memref<10000x128xf32, #tpu.memory_space<vmem_shared>> -> memref<80x128xf32, #tpu.memory_space<vmem_shared>>
      %dma_start3A_81 = arith.constant 0 : i32
      %dma_start3A_82 = tpu.memref_slice %arg11[%add3A_13, %dma_start3A_81] : memref<10000x128xf32, #tpu.memory_space<vmem_shared>> -> memref<80x128xf32, #tpu.memory_space<vmem_shared>>
      tpu.enqueue_dma source(%arg8 : memref<80x128xf32, #tpu.memory_space<vmem>>) target(%dma_start3A_82 : memref<80x128xf32, #tpu.memory_space<vmem_shared>>) target_semaphore(%run_scoped3A : memref<!tpu.dma_semaphore, #tpu.memory_space<semaphore_mem>>)
      %dma_wait3A_83 = arith.constant 0 : i32
      %dma_wait3A_84 = tpu.memref_slice %arg11[%add3A_13, %dma_wait3A_83] : memref<10000x128xf32, #tpu.memory_space<vmem_shared>> -> memref<80x128xf32, #tpu.memory_space<vmem_shared>>
      %dma_wait3A_85 = arith.constant 0 : i32
      %dma_wait3A_86 = tpu.memref_slice %arg11[%add3A_13, %dma_wait3A_85] : memref<10000x128xf32, #tpu.memory_space<vmem_shared>> -> memref<80x128xf32, #tpu.memory_space<vmem_shared>>
      tpu.wait_dma2 semaphore(%run_scoped3A : memref<!tpu.dma_semaphore, #tpu.memory_space<semaphore_mem>>) src(%arg8 : memref<80x128xf32, #tpu.memory_space<vmem>>) dst(%dma_wait3A_86 : memref<80x128xf32, #tpu.memory_space<vmem_shared>>)
      tpu.yield
    }) : () -> ()
    %mul3A_14 = arith.constant 624 : i32
    %mul3A_15 = arith.muli %arg1, %mul3A_14 : i32
    %add3A_16 = arith.constant 160 : i32
    %add3A_17 = arith.addi %mul3A_15, %add3A_16 : i32
    "tpu.region"() ({
      %run_scoped3A = tpu.sem_alloc : memref<!tpu.dma_semaphore, #tpu.memory_space<semaphore_mem>>
      %dma_start3A_79 = arith.constant 0 : i32
      %dma_start3A_80 = tpu.memref_slice %arg11[%add3A_17, %dma_start3A_79] : memref<10000x128xf32, #tpu.memory_space<vmem_shared>> -> memref<80x128xf32, #tpu.memory_space<vmem_shared>>
      %dma_start3A_81 = arith.constant 0 : i32
      %dma_start3A_82 = tpu.memref_slice %arg11[%add3A_17, %dma_start3A_81] : memref<10000x128xf32, #tpu.memory_space<vmem_shared>> -> memref<80x128xf32, #tpu.memory_space<vmem_shared>>
      tpu.enqueue_dma source(%arg8 : memref<80x128xf32, #tpu.memory_space<vmem>>) target(%dma_start3A_82 : memref<80x128xf32, #tpu.memory_space<vmem_shared>>) target_semaphore(%run_scoped3A : memref<!tpu.dma_semaphore, #tpu.memory_space<semaphore_mem>>)
      %dma_wait3A_83 = arith.constant 0 : i32
      %dma_wait3A_84 = tpu.memref_slice %arg11[%add3A_17, %dma_wait3A_83] : memref<10000x128xf32, #tpu.memory_space<vmem_shared>> -> memref<80x128xf32, #tpu.memory_space<vmem_shared>>
      %dma_wait3A_85 = arith.constant 0 : i32
      %dma_wait3A_86 = tpu.memref_slice %arg11[%add3A_17, %dma_wait3A_85] : memref<10000x128xf32, #tpu.memory_space<vmem_shared>> -> memref<80x128xf32, #tpu.memory_space<vmem_shared>>
      tpu.wait_dma2 semaphore(%run_scoped3A : memref<!tpu.dma_semaphore, #tpu.memory_space<semaphore_mem>>) src(%arg8 : memref<80x128xf32, #tpu.memory_space<vmem>>) dst(%dma_wait3A_86 : memref<80x128xf32, #tpu.memory_space<vmem_shared>>)
      tpu.yield
    }) : () -> ()
    %mul3A_18 = arith.constant 624 : i32
    %mul3A_19 = arith.muli %arg1, %mul3A_18 : i32
    %add3A_20 = arith.constant 240 : i32
    %add3A_21 = arith.addi %mul3A_19, %add3A_20 : i32
    "tpu.region"() ({
      %run_scoped3A = tpu.sem_alloc : memref<!tpu.dma_semaphore, #tpu.memory_space<semaphore_mem>>
      %dma_start3A_79 = arith.constant 0 : i32
      %dma_start3A_80 = tpu.memref_slice %arg11[%add3A_21, %dma_start3A_79] : memref<10000x128xf32, #tpu.memory_space<vmem_shared>> -> memref<80x128xf32, #tpu.memory_space<vmem_shared>>
      %dma_start3A_81 = arith.constant 0 : i32
      %dma_start3A_82 = tpu.memref_slice %arg11[%add3A_21, %dma_start3A_81] : memref<10000x128xf32, #tpu.memory_space<vmem_shared>> -> memref<80x128xf32, #tpu.memory_space<vmem_shared>>
      tpu.enqueue_dma source(%arg8 : memref<80x128xf32, #tpu.memory_space<vmem>>) target(%dma_start3A_82 : memref<80x128xf32, #tpu.memory_space<vmem_shared>>) target_semaphore(%run_scoped3A : memref<!tpu.dma_semaphore, #tpu.memory_space<semaphore_mem>>)
      %dma_wait3A_83 = arith.constant 0 : i32
      %dma_wait3A_84 = tpu.memref_slice %arg11[%add3A_21, %dma_wait3A_83] : memref<10000x128xf32, #tpu.memory_space<vmem_shared>> -> memref<80x128xf32, #tpu.memory_space<vmem_shared>>
      %dma_wait3A_85 = arith.constant 0 : i32
      %dma_wait3A_86 = tpu.memref_slice %arg11[%add3A_21, %dma_wait3A_85] : memref<10000x128xf32, #tpu.memory_space<vmem_shared>> -> memref<80x128xf32, #tpu.memory_space<vmem_shared>>
      tpu.wait_dma2 semaphore(%run_scoped3A : memref<!tpu.dma_semaphore, #tpu.memory_space<semaphore_mem>>) src(%arg8 : memref<80x128xf32, #tpu.memory_space<vmem>>) dst(%dma_wait3A_86 : memref<80x128xf32, #tpu.memory_space<vmem_shared>>)
      tpu.yield
    }) : () -> ()
    %mul3A_22 = arith.constant 624 : i32
    %mul3A_23 = arith.muli %arg1, %mul3A_22 : i32
    %add3A_24 = arith.constant 320 : i32
    %add3A_25 = arith.addi %mul3A_23, %add3A_24 : i32
    "tpu.region"() ({
      %run_scoped3A = tpu.sem_alloc : memref<!tpu.dma_semaphore, #tpu.memory_space<semaphore_mem>>
      %dma_start3A_79 = arith.constant 0 : i32
      %dma_start3A_80 = tpu.memref_slice %arg11[%add3A_25, %dma_start3A_79] : memref<10000x128xf32, #tpu.memory_space<vmem_shared>> -> memref<80x128xf32, #tpu.memory_space<vmem_shared>>
      %dma_start3A_81 = arith.constant 0 : i32
      %dma_start3A_82 = tpu.memref_slice %arg11[%add3A_25, %dma_start3A_81] : memref<10000x128xf32, #tpu.memory_space<vmem_shared>> -> memref<80x128xf32, #tpu.memory_space<vmem_shared>>
      tpu.enqueue_dma source(%arg8 : memref<80x128xf32, #tpu.memory_space<vmem>>) target(%dma_start3A_82 : memref<80x128xf32, #tpu.memory_space<vmem_shared>>) target_semaphore(%run_scoped3A : memref<!tpu.dma_semaphore, #tpu.memory_space<semaphore_mem>>)
      %dma_wait3A_83 = arith.constant 0 : i32
      %dma_wait3A_84 = tpu.memref_slice %arg11[%add3A_25, %dma_wait3A_83] : memref<10000x128xf32, #tpu.memory_space<vmem_shared>> -> memref<80x128xf32, #tpu.memory_space<vmem_shared>>
      %dma_wait3A_85 = arith.constant 0 : i32
      %dma_wait3A_86 = tpu.memref_slice %arg11[%add3A_25, %dma_wait3A_85] : memref<10000x128xf32, #tpu.memory_space<vmem_shared>> -> memref<80x128xf32, #tpu.memory_space<vmem_shared>>
      tpu.wait_dma2 semaphore(%run_scoped3A : memref<!tpu.dma_semaphore, #tpu.memory_space<semaphore_mem>>) src(%arg8 : memref<80x128xf32, #tpu.memory_space<vmem>>) dst(%dma_wait3A_86 : memref<80x128xf32, #tpu.memory_space<vmem_shared>>)
      tpu.yield
    }) : () -> ()
    %mul3A_26 = arith.constant 624 : i32
    %mul3A_27 = arith.muli %arg1, %mul3A_26 : i32
    %add3A_28 = arith.constant 400 : i32
    %add3A_29 = arith.addi %mul3A_27, %add3A_28 : i32
    "tpu.region"() ({
      %run_scoped3A = tpu.sem_alloc : memref<!tpu.dma_semaphore, #tpu.memory_space<semaphore_mem>>
      %dma_start3A_79 = arith.constant 0 : i32
      %dma_start3A_80 = tpu.memref_slice %arg11[%add3A_29, %dma_start3A_79] : memref<10000x128xf32, #tpu.memory_space<vmem_shared>> -> memref<80x128xf32, #tpu.memory_space<vmem_shared>>
      %dma_start3A_81 = arith.constant 0 : i32
      %dma_start3A_82 = tpu.memref_slice %arg11[%add3A_29, %dma_start3A_81] : memref<10000x128xf32, #tpu.memory_space<vmem_shared>> -> memref<80x128xf32, #tpu.memory_space<vmem_shared>>
      tpu.enqueue_dma source(%arg8 : memref<80x128xf32, #tpu.memory_space<vmem>>) target(%dma_start3A_82 : memref<80x128xf32, #tpu.memory_space<vmem_shared>>) target_semaphore(%run_scoped3A : memref<!tpu.dma_semaphore, #tpu.memory_space<semaphore_mem>>)
      %dma_wait3A_83 = arith.constant 0 : i32
      %dma_wait3A_84 = tpu.memref_slice %arg11[%add3A_29, %dma_wait3A_83] : memref<10000x128xf32, #tpu.memory_space<vmem_shared>> -> memref<80x128xf32, #tpu.memory_space<vmem_shared>>
      %dma_wait3A_85 = arith.constant 0 : i32
      %dma_wait3A_86 = tpu.memref_slice %arg11[%add3A_29, %dma_wait3A_85] : memref<10000x128xf32, #tpu.memory_space<vmem_shared>> -> memref<80x128xf32, #tpu.memory_space<vmem_shared>>
      tpu.wait_dma2 semaphore(%run_scoped3A : memref<!tpu.dma_semaphore, #tpu.memory_space<semaphore_mem>>) src(%arg8 : memref<80x128xf32, #tpu.memory_space<vmem>>) dst(%dma_wait3A_86 : memref<80x128xf32, #tpu.memory_space<vmem_shared>>)
      tpu.yield
    }) : () -> ()
    %mul3A_30 = arith.constant 624 : i32
    %mul3A_31 = arith.muli %arg1, %mul3A_30 : i32
    %add3A_32 = arith.constant 480 : i32
    %add3A_33 = arith.addi %mul3A_31, %add3A_32 : i32
    "tpu.region"() ({
      %run_scoped3A = tpu.sem_alloc : memref<!tpu.dma_semaphore, #tpu.memory_space<semaphore_mem>>
      %dma_start3A_79 = arith.constant 0 : i32
      %dma_start3A_80 = tpu.memref_slice %arg11[%add3A_33, %dma_start3A_79] : memref<10000x128xf32, #tpu.memory_space<vmem_shared>> -> memref<80x128xf32, #tpu.memory_space<vmem_shared>>
      %dma_start3A_81 = arith.constant 0 : i32
      %dma_start3A_82 = tpu.memref_slice %arg11[%add3A_33, %dma_start3A_81] : memref<10000x128xf32, #tpu.memory_space<vmem_shared>> -> memref<80x128xf32, #tpu.memory_space<vmem_shared>>
      tpu.enqueue_dma source(%arg8 : memref<80x128xf32, #tpu.memory_space<vmem>>) target(%dma_start3A_82 : memref<80x128xf32, #tpu.memory_space<vmem_shared>>) target_semaphore(%run_scoped3A : memref<!tpu.dma_semaphore, #tpu.memory_space<semaphore_mem>>)
      %dma_wait3A_83 = arith.constant 0 : i32
      %dma_wait3A_84 = tpu.memref_slice %arg11[%add3A_33, %dma_wait3A_83] : memref<10000x128xf32, #tpu.memory_space<vmem_shared>> -> memref<80x128xf32, #tpu.memory_space<vmem_shared>>
      %dma_wait3A_85 = arith.constant 0 : i32
      %dma_wait3A_86 = tpu.memref_slice %arg11[%add3A_33, %dma_wait3A_85] : memref<10000x128xf32, #tpu.memory_space<vmem_shared>> -> memref<80x128xf32, #tpu.memory_space<vmem_shared>>
      tpu.wait_dma2 semaphore(%run_scoped3A : memref<!tpu.dma_semaphore, #tpu.memory_space<semaphore_mem>>) src(%arg8 : memref<80x128xf32, #tpu.memory_space<vmem>>) dst(%dma_wait3A_86 : memref<80x128xf32, #tpu.memory_space<vmem_shared>>)
      tpu.yield
    }) : () -> ()
    %lt3A = arith.constant 15 : i32
    %lt3A_34 = arith.cmpi slt, %arg1, %lt3A : i32
    %convert_element_type3A = arith.extui %lt3A_34 : i1 to i32
    %cond3A = arith.constant 0 : i32
    %cond3A_35 = arith.cmpi ne, %convert_element_type3A, %cond3A : i32
    scf.if %cond3A_35 {
      %mul3A_79 = arith.constant 624 : i32
      %mul3A_80 = arith.muli %arg1, %mul3A_79 : i32
      %add3A_81 = arith.constant 624 : i32
      %add3A_82 = arith.addi %mul3A_80, %add3A_81 : i32
      %sub3A = arith.constant 64 : i32
      %sub3A_83 = arith.subi %add3A_82, %sub3A : i32
      "tpu.region"() ({
        %run_scoped3A = tpu.sem_alloc : memref<!tpu.dma_semaphore, #tpu.memory_space<semaphore_mem>>
        %dma_start3A_84 = arith.constant 0 : i32
        %dma_start3A_85 = arith.constant 0 : i32
        %dma_start3A_86 = tpu.memref_slice %arg8[%dma_start3A_84, %dma_start3A_85] : memref<80x128xf32, #tpu.memory_space<vmem>> -> memref<64x128xf32, #tpu.memory_space<vmem>>
        %dma_start3A_87 = arith.constant 0 : i32
        %dma_start3A_88 = tpu.memref_slice %arg11[%sub3A_83, %dma_start3A_87] : memref<10000x128xf32, #tpu.memory_space<vmem_shared>> -> memref<64x128xf32, #tpu.memory_space<vmem_shared>>
        %dma_start3A_89 = arith.constant 0 : i32
        %dma_start3A_90 = tpu.memref_slice %arg11[%sub3A_83, %dma_start3A_89] : memref<10000x128xf32, #tpu.memory_space<vmem_shared>> -> memref<64x128xf32, #tpu.memory_space<vmem_shared>>
        %dma_start3A_91 = arith.constant 0 : i32
        %dma_start3A_92 = arith.constant 0 : i32
        %dma_start3A_93 = tpu.memref_slice %arg8[%dma_start3A_91, %dma_start3A_92] : memref<80x128xf32, #tpu.memory_space<vmem>> -> memref<64x128xf32, #tpu.memory_space<vmem>>
        tpu.enqueue_dma source(%dma_start3A_93 : memref<64x128xf32, #tpu.memory_space<vmem>>) target(%dma_start3A_90 : memref<64x128xf32, #tpu.memory_space<vmem_shared>>) target_semaphore(%run_scoped3A : memref<!tpu.dma_semaphore, #tpu.memory_space<semaphore_mem>>)
        %dma_wait3A_94 = arith.constant 0 : i32
        %dma_wait3A_95 = arith.constant 0 : i32
        %dma_wait3A_96 = tpu.memref_slice %arg8[%dma_wait3A_94, %dma_wait3A_95] : memref<80x128xf32, #tpu.memory_space<vmem>> -> memref<64x128xf32, #tpu.memory_space<vmem>>
        %dma_wait3A_97 = arith.constant 0 : i32
        %dma_wait3A_98 = tpu.memref_slice %arg11[%sub3A_83, %dma_wait3A_97] : memref<10000x128xf32, #tpu.memory_space<vmem_shared>> -> memref<64x128xf32, #tpu.memory_space<vmem_shared>>
        %dma_wait3A_99 = arith.constant 0 : i32
        %dma_wait3A_100 = tpu.memref_slice %arg11[%sub3A_83, %dma_wait3A_99] : memref<10000x128xf32, #tpu.memory_space<vmem_shared>> -> memref<64x128xf32, #tpu.memory_space<vmem_shared>>
        %dma_wait3A_101 = arith.constant 0 : i32
        %dma_wait3A_102 = arith.constant 0 : i32
        %dma_wait3A_103 = tpu.memref_slice %arg8[%dma_wait3A_101, %dma_wait3A_102] : memref<80x128xf32, #tpu.memory_space<vmem>> -> memref<64x128xf32, #tpu.memory_space<vmem>>
        tpu.wait_dma2 semaphore(%run_scoped3A : memref<!tpu.dma_semaphore, #tpu.memory_space<semaphore_mem>>) src(%dma_wait3A_103 : memref<64x128xf32, #tpu.memory_space<vmem>>) dst(%dma_wait3A_100 : memref<64x128xf32, #tpu.memory_space<vmem_shared>>)
        tpu.yield
      }) : () -> ()
    } else {
    }
    %eq3A = arith.constant 15 : i32
    %eq3A_36 = arith.cmpi eq, %arg1, %eq3A : i32
    %convert_element_type3A_37 = arith.extui %eq3A_36 : i1 to i32
    %cond3A_38 = arith.constant 0 : i32
    %cond3A_39 = arith.cmpi ne, %convert_element_type3A_37, %cond3A_38 : i32
    scf.if %cond3A_39 {
      "tpu.region"() ({
        %run_scoped3A = tpu.sem_alloc : memref<!tpu.dma_semaphore, #tpu.memory_space<semaphore_mem>>
        %dma_start3A_79 = arith.constant 9920 : i32
        %dma_start3A_80 = arith.constant 0 : i32
        %dma_start3A_81 = tpu.memref_slice %arg11[%dma_start3A_79, %dma_start3A_80] : memref<10000x128xf32, #tpu.memory_space<vmem_shared>> -> memref<80x128xf32, #tpu.memory_space<vmem_shared>>
        %dma_start3A_82 = arith.constant 9920 : i32
        %dma_start3A_83 = arith.constant 0 : i32
        %dma_start3A_84 = tpu.memref_slice %arg11[%dma_start3A_82, %dma_start3A_83] : memref<10000x128xf32, #tpu.memory_space<vmem_shared>> -> memref<80x128xf32, #tpu.memory_space<vmem_shared>>
        tpu.enqueue_dma source(%arg8 : memref<80x128xf32, #tpu.memory_space<vmem>>) target(%dma_start3A_84 : memref<80x128xf32, #tpu.memory_space<vmem_shared>>) target_semaphore(%run_scoped3A : memref<!tpu.dma_semaphore, #tpu.memory_space<semaphore_mem>>)
        %dma_wait3A_85 = arith.constant 9920 : i32
        %dma_wait3A_86 = arith.constant 0 : i32
        %dma_wait3A_87 = tpu.memref_slice %arg11[%dma_wait3A_85, %dma_wait3A_86] : memref<10000x128xf32, #tpu.memory_space<vmem_shared>> -> memref<80x128xf32, #tpu.memory_space<vmem_shared>>
        %dma_wait3A_88 = arith.constant 9920 : i32
        %dma_wait3A_89 = arith.constant 0 : i32
        %dma_wait3A_90 = tpu.memref_slice %arg11[%dma_wait3A_88, %dma_wait3A_89] : memref<10000x128xf32, #tpu.memory_space<vmem_shared>> -> memref<80x128xf32, #tpu.memory_space<vmem_shared>>
        tpu.wait_dma2 semaphore(%run_scoped3A : memref<!tpu.dma_semaphore, #tpu.memory_space<semaphore_mem>>) src(%arg8 : memref<80x128xf32, #tpu.memory_space<vmem>>) dst(%dma_wait3A_90 : memref<80x128xf32, #tpu.memory_space<vmem_shared>>)
        tpu.yield
      }) : () -> ()
    } else {
    }
    %barrier3A = arith.constant 0 : index
    tpu.barrier barrier_id(%barrier3A)
    %dma_start3A = arith.constant 0 : i32
    %dma_start3A_40 = tpu.memref_slice %arg6[%dma_start3A] : memref<10000xi32, #tpu.memory_space<vmem>> -> memref<80xi32, #tpu.memory_space<vmem>>
    %dma_start3A_41 = arith.constant 0 : i32
    %dma_start3A_42 = arith.constant 0 : i32
    %dma_start3A_43 = tpu.memref_slice %arg2[%dma_start3A_41, %dma_start3A_42] : memref<10000x128xf32, #tpu.memory_space<hbm>> -> memref<10000x128xf32, #tpu.memory_space<hbm>>
    tpu.enqueue_indirect_dma source(%dma_start3A_43 : memref<10000x128xf32, #tpu.memory_space<hbm>>) target(%arg8 : memref<80x128xf32, #tpu.memory_space<vmem>>) offsets(%dma_start3A_40 : memref<80xi32, #tpu.memory_space<vmem>>) semaphore(%arg12 : memref<!tpu.dma_semaphore, #tpu.memory_space<semaphore_mem>>)
    %dma_start3A_44 = arith.constant 80 : i32
    %dma_start3A_45 = tpu.memref_slice %arg6[%dma_start3A_44] : memref<10000xi32, #tpu.memory_space<vmem>> -> memref<80xi32, #tpu.memory_space<vmem>>
    %dma_start3A_46 = arith.constant 0 : i32
    %dma_start3A_47 = arith.constant 0 : i32
    %dma_start3A_48 = tpu.memref_slice %arg2[%dma_start3A_46, %dma_start3A_47] : memref<10000x128xf32, #tpu.memory_space<hbm>> -> memref<10000x128xf32, #tpu.memory_space<hbm>>
    tpu.enqueue_indirect_dma source(%dma_start3A_48 : memref<10000x128xf32, #tpu.memory_space<hbm>>) target(%arg9 : memref<80x128xf32, #tpu.memory_space<vmem>>) offsets(%dma_start3A_45 : memref<80xi32, #tpu.memory_space<vmem>>) semaphore(%arg13 : memref<!tpu.dma_semaphore, #tpu.memory_space<semaphore_mem>>)
    %dma_start3A_49 = arith.constant 160 : i32
    %dma_start3A_50 = tpu.memref_slice %arg6[%dma_start3A_49] : memref<10000xi32, #tpu.memory_space<vmem>> -> memref<80xi32, #tpu.memory_space<vmem>>
    %dma_start3A_51 = arith.constant 0 : i32
    %dma_start3A_52 = arith.constant 0 : i32
    %dma_start3A_53 = tpu.memref_slice %arg2[%dma_start3A_51, %dma_start3A_52] : memref<10000x128xf32, #tpu.memory_space<hbm>> -> memref<10000x128xf32, #tpu.memory_space<hbm>>
    tpu.enqueue_indirect_dma source(%dma_start3A_53 : memref<10000x128xf32, #tpu.memory_space<hbm>>) target(%arg10 : memref<80x128xf32, #tpu.memory_space<vmem>>) offsets(%dma_start3A_50 : memref<80xi32, #tpu.memory_space<vmem>>) semaphore(%arg14 : memref<!tpu.dma_semaphore, #tpu.memory_space<semaphore_mem>>)
    %scan3A_54 = arith.constant 0 : i32
    %scan3A_55 = arith.constant 41 : i32
    %scan3A_56 = arith.addi %scan3A_54, %scan3A_55 : i32
    %scan3A_57 = arith.constant 1 : i32
    scf.for %scan3A_79 = %scan3A_54 to %scan3A_56 step %scan3A_57  : i32 {
      %mul3A_80 = arith.constant 3 : i32
      %mul3A_81 = arith.muli %scan3A_79, %mul3A_80 : i32
      %add3A_82 = arith.constant 0 : i32
      %add3A_83 = arith.addi %add3A_82, %mul3A_81 : i32
      %add3A_84 = arith.constant 0 : i32
      %add3A_85 = arith.addi %add3A_83, %add3A_84 : i32
      %mul3A_86 = arith.constant 80 : i32
      %mul3A_87 = arith.muli %add3A_85, %mul3A_86 : i32
      %dma_wait3A_88 = tpu.memref_slice %arg6[%mul3A_87] : memref<10000xi32, #tpu.memory_space<vmem>> -> memref<80xi32, #tpu.memory_space<vmem>>
      %dma_wait3A_89 = arith.constant 0 : i32
      %dma_wait3A_90 = arith.constant 0 : i32
      %dma_wait3A_91 = tpu.memref_slice %arg2[%dma_wait3A_89, %dma_wait3A_90] : memref<10000x128xf32, #tpu.memory_space<hbm>> -> memref<10000x128xf32, #tpu.memory_space<hbm>>
      tpu.wait_indirect_dma semaphore(%arg12 : memref<!tpu.dma_semaphore, #tpu.memory_space<semaphore_mem>>) src(%dma_wait3A_91 : memref<10000x128xf32, #tpu.memory_space<hbm>>) dst(%arg8 : memref<80x128xf32, #tpu.memory_space<vmem>>)
      %mul3A_92 = arith.constant 80 : i32
      %mul3A_93 = arith.muli %add3A_85, %mul3A_92 : i32
      "tpu.region"() ({
        %run_scoped3A = tpu.sem_alloc : memref<!tpu.dma_semaphore, #tpu.memory_space<semaphore_mem>>
        %dma_start3A_135 = tpu.memref_slice %arg7[%mul3A_93] : memref<10000xi32, #tpu.memory_space<vmem>> -> memref<80xi32, #tpu.memory_space<vmem>>
        %dma_start3A_136 = arith.constant 0 : i32
        %dma_start3A_137 = arith.constant 0 : i32
        %dma_start3A_138 = tpu.memref_slice %arg11[%dma_start3A_136, %dma_start3A_137] : memref<10000x128xf32, #tpu.memory_space<vmem_shared>> -> memref<10000x128xf32, #tpu.memory_space<vmem_shared>>
        tpu.enqueue_indirect_dma source(%arg8 : memref<80x128xf32, #tpu.memory_space<vmem>>) target(%dma_start3A_138 : memref<10000x128xf32, #tpu.memory_space<vmem_shared>>) offsets(%dma_start3A_135 : memref<80xi32, #tpu.memory_space<vmem>>) semaphore(%run_scoped3A : memref<!tpu.dma_semaphore, #tpu.memory_space<semaphore_mem>>) {add = true}
        %dma_wait3A_139 = tpu.memref_slice %arg7[%mul3A_93] : memref<10000xi32, #tpu.memory_space<vmem>> -> memref<80xi32, #tpu.memory_space<vmem>>
        %dma_wait3A_140 = arith.constant 0 : i32
        %dma_wait3A_141 = arith.constant 0 : i32
        %dma_wait3A_142 = tpu.memref_slice %arg11[%dma_wait3A_140, %dma_wait3A_141] : memref<10000x128xf32, #tpu.memory_space<vmem_shared>> -> memref<10000x128xf32, #tpu.memory_space<vmem_shared>>
        tpu.wait_indirect_dma semaphore(%run_scoped3A : memref<!tpu.dma_semaphore, #tpu.memory_space<semaphore_mem>>) src(%arg8 : memref<80x128xf32, #tpu.memory_space<vmem>>) dst(%dma_wait3A_142 : memref<10000x128xf32, #tpu.memory_space<vmem_shared>>)
        tpu.yield
      }) : () -> ()
      %add3A_94 = arith.constant 3 : i32
      %add3A_95 = arith.addi %add3A_85, %add3A_94 : i32
      %lt3A_96 = arith.constant 125 : i32
      %lt3A_97 = arith.cmpi slt, %add3A_95, %lt3A_96 : i32
      %convert_element_type3A_98 = arith.extui %lt3A_97 : i1 to i32
      %cond3A_99 = arith.constant 0 : i32
      %cond3A_100 = arith.cmpi ne, %convert_element_type3A_98, %cond3A_99 : i32
      scf.if %cond3A_100 {
        %add3A_135 = arith.constant 3 : i32
        %add3A_136 = arith.addi %add3A_85, %add3A_135 : i32
        %mul3A_137 = arith.constant 80 : i32
        %mul3A_138 = arith.muli %add3A_136, %mul3A_137 : i32
        %dma_start3A_139 = tpu.memref_slice %arg6[%mul3A_138] : memref<10000xi32, #tpu.memory_space<vmem>> -> memref<80xi32, #tpu.memory_space<vmem>>
        %dma_start3A_140 = arith.constant 0 : i32
        %dma_start3A_141 = arith.constant 0 : i32
        %dma_start3A_142 = tpu.memref_slice %arg2[%dma_start3A_140, %dma_start3A_141] : memref<10000x128xf32, #tpu.memory_space<hbm>> -> memref<10000x128xf32, #tpu.memory_space<hbm>>
        tpu.enqueue_indirect_dma source(%dma_start3A_142 : memref<10000x128xf32, #tpu.memory_space<hbm>>) target(%arg8 : memref<80x128xf32, #tpu.memory_space<vmem>>) offsets(%dma_start3A_139 : memref<80xi32, #tpu.memory_space<vmem>>) semaphore(%arg12 : memref<!tpu.dma_semaphore, #tpu.memory_space<semaphore_mem>>)
      } else {
      }
      %add3A_101 = arith.constant 1 : i32
      %add3A_102 = arith.addi %add3A_83, %add3A_101 : i32
      %mul3A_103 = arith.constant 80 : i32
      %mul3A_104 = arith.muli %add3A_102, %mul3A_103 : i32
      %dma_wait3A_105 = tpu.memref_slice %arg6[%mul3A_104] : memref<10000xi32, #tpu.memory_space<vmem>> -> memref<80xi32, #tpu.memory_space<vmem>>
      %dma_wait3A_106 = arith.constant 0 : i32
      %dma_wait3A_107 = arith.constant 0 : i32
      %dma_wait3A_108 = tpu.memref_slice %arg2[%dma_wait3A_106, %dma_wait3A_107] : memref<10000x128xf32, #tpu.memory_space<hbm>> -> memref<10000x128xf32, #tpu.memory_space<hbm>>
      tpu.wait_indirect_dma semaphore(%arg13 : memref<!tpu.dma_semaphore, #tpu.memory_space<semaphore_mem>>) src(%dma_wait3A_108 : memref<10000x128xf32, #tpu.memory_space<hbm>>) dst(%arg9 : memref<80x128xf32, #tpu.memory_space<vmem>>)
      %mul3A_109 = arith.constant 80 : i32
      %mul3A_110 = arith.muli %add3A_102, %mul3A_109 : i32
      "tpu.region"() ({
        %run_scoped3A = tpu.sem_alloc : memref<!tpu.dma_semaphore, #tpu.memory_space<semaphore_mem>>
        %dma_start3A_135 = tpu.memref_slice %arg7[%mul3A_110] : memref<10000xi32, #tpu.memory_space<vmem>> -> memref<80xi32, #tpu.memory_space<vmem>>
        %dma_start3A_136 = arith.constant 0 : i32
        %dma_start3A_137 = arith.constant 0 : i32
        %dma_start3A_138 = tpu.memref_slice %arg11[%dma_start3A_136, %dma_start3A_137] : memref<10000x128xf32, #tpu.memory_space<vmem_shared>> -> memref<10000x128xf32, #tpu.memory_space<vmem_shared>>
        tpu.enqueue_indirect_dma source(%arg9 : memref<80x128xf32, #tpu.memory_space<vmem>>) target(%dma_start3A_138 : memref<10000x128xf32, #tpu.memory_space<vmem_shared>>) offsets(%dma_start3A_135 : memref<80xi32, #tpu.memory_space<vmem>>) semaphore(%run_scoped3A : memref<!tpu.dma_semaphore, #tpu.memory_space<semaphore_mem>>) {add = true}
        %dma_wait3A_139 = tpu.memref_slice %arg7[%mul3A_110] : memref<10000xi32, #tpu.memory_space<vmem>> -> memref<80xi32, #tpu.memory_space<vmem>>
        %dma_wait3A_140 = arith.constant 0 : i32
        %dma_wait3A_141 = arith.constant 0 : i32
        %dma_wait3A_142 = tpu.memref_slice %arg11[%dma_wait3A_140, %dma_wait3A_141] : memref<10000x128xf32, #tpu.memory_space<vmem_shared>> -> memref<10000x128xf32, #tpu.memory_space<vmem_shared>>
        tpu.wait_indirect_dma semaphore(%run_scoped3A : memref<!tpu.dma_semaphore, #tpu.memory_space<semaphore_mem>>) src(%arg9 : memref<80x128xf32, #tpu.memory_space<vmem>>) dst(%dma_wait3A_142 : memref<10000x128xf32, #tpu.memory_space<vmem_shared>>)
        tpu.yield
      }) : () -> ()
      %add3A_111 = arith.constant 3 : i32
      %add3A_112 = arith.addi %add3A_102, %add3A_111 : i32
      %lt3A_113 = arith.constant 125 : i32
      %lt3A_114 = arith.cmpi slt, %add3A_112, %lt3A_113 : i32
      %convert_element_type3A_115 = arith.extui %lt3A_114 : i1 to i32
      %cond3A_116 = arith.constant 0 : i32
      %cond3A_117 = arith.cmpi ne, %convert_element_type3A_115, %cond3A_116 : i32
      scf.if %cond3A_117 {
        %add3A_135 = arith.constant 3 : i32
        %add3A_136 = arith.addi %add3A_102, %add3A_135 : i32
        %mul3A_137 = arith.constant 80 : i32
        %mul3A_138 = arith.muli %add3A_136, %mul3A_137 : i32
        %dma_start3A_139 = tpu.memref_slice %arg6[%mul3A_138] : memref<10000xi32, #tpu.memory_space<vmem>> -> memref<80xi32, #tpu.memory_space<vmem>>
        %dma_start3A_140 = arith.constant 0 : i32
        %dma_start3A_141 = arith.constant 0 : i32
        %dma_start3A_142 = tpu.memref_slice %arg2[%dma_start3A_140, %dma_start3A_141] : memref<10000x128xf32, #tpu.memory_space<hbm>> -> memref<10000x128xf32, #tpu.memory_space<hbm>>
        tpu.enqueue_indirect_dma source(%dma_start3A_142 : memref<10000x128xf32, #tpu.memory_space<hbm>>) target(%arg9 : memref<80x128xf32, #tpu.memory_space<vmem>>) offsets(%dma_start3A_139 : memref<80xi32, #tpu.memory_space<vmem>>) semaphore(%arg13 : memref<!tpu.dma_semaphore, #tpu.memory_space<semaphore_mem>>)
      } else {
      }
      %add3A_118 = arith.constant 2 : i32
      %add3A_119 = arith.addi %add3A_83, %add3A_118 : i32
      %mul3A_120 = arith.constant 80 : i32
      %mul3A_121 = arith.muli %add3A_119, %mul3A_120 : i32
      %dma_wait3A_122 = tpu.memref_slice %arg6[%mul3A_121] : memref<10000xi32, #tpu.memory_space<vmem>> -> memref<80xi32, #tpu.memory_space<vmem>>
      %dma_wait3A_123 = arith.constant 0 : i32
      %dma_wait3A_124 = arith.constant 0 : i32
      %dma_wait3A_125 = tpu.memref_slice %arg2[%dma_wait3A_123, %dma_wait3A_124] : memref<10000x128xf32, #tpu.memory_space<hbm>> -> memref<10000x128xf32, #tpu.memory_space<hbm>>
      tpu.wait_indirect_dma semaphore(%arg14 : memref<!tpu.dma_semaphore, #tpu.memory_space<semaphore_mem>>) src(%dma_wait3A_125 : memref<10000x128xf32, #tpu.memory_space<hbm>>) dst(%arg10 : memref<80x128xf32, #tpu.memory_space<vmem>>)
      %mul3A_126 = arith.constant 80 : i32
      %mul3A_127 = arith.muli %add3A_119, %mul3A_126 : i32
      "tpu.region"() ({
        %run_scoped3A = tpu.sem_alloc : memref<!tpu.dma_semaphore, #tpu.memory_space<semaphore_mem>>
        %dma_start3A_135 = tpu.memref_slice %arg7[%mul3A_127] : memref<10000xi32, #tpu.memory_space<vmem>> -> memref<80xi32, #tpu.memory_space<vmem>>
        %dma_start3A_136 = arith.constant 0 : i32
        %dma_start3A_137 = arith.constant 0 : i32
        %dma_start3A_138 = tpu.memref_slice %arg11[%dma_start3A_136, %dma_start3A_137] : memref<10000x128xf32, #tpu.memory_space<vmem_shared>> -> memref<10000x128xf32, #tpu.memory_space<vmem_shared>>
        tpu.enqueue_indirect_dma source(%arg10 : memref<80x128xf32, #tpu.memory_space<vmem>>) target(%dma_start3A_138 : memref<10000x128xf32, #tpu.memory_space<vmem_shared>>) offsets(%dma_start3A_135 : memref<80xi32, #tpu.memory_space<vmem>>) semaphore(%run_scoped3A : memref<!tpu.dma_semaphore, #tpu.memory_space<semaphore_mem>>) {add = true}
        %dma_wait3A_139 = tpu.memref_slice %arg7[%mul3A_127] : memref<10000xi32, #tpu.memory_space<vmem>> -> memref<80xi32, #tpu.memory_space<vmem>>
        %dma_wait3A_140 = arith.constant 0 : i32
        %dma_wait3A_141 = arith.constant 0 : i32
        %dma_wait3A_142 = tpu.memref_slice %arg11[%dma_wait3A_140, %dma_wait3A_141] : memref<10000x128xf32, #tpu.memory_space<vmem_shared>> -> memref<10000x128xf32, #tpu.memory_space<vmem_shared>>
        tpu.wait_indirect_dma semaphore(%run_scoped3A : memref<!tpu.dma_semaphore, #tpu.memory_space<semaphore_mem>>) src(%arg10 : memref<80x128xf32, #tpu.memory_space<vmem>>) dst(%dma_wait3A_142 : memref<10000x128xf32, #tpu.memory_space<vmem_shared>>)
        tpu.yield
      }) : () -> ()
      %add3A_128 = arith.constant 3 : i32
      %add3A_129 = arith.addi %add3A_119, %add3A_128 : i32
      %lt3A_130 = arith.constant 125 : i32
      %lt3A_131 = arith.cmpi slt, %add3A_129, %lt3A_130 : i32
      %convert_element_type3A_132 = arith.extui %lt3A_131 : i1 to i32
      %cond3A_133 = arith.constant 0 : i32
      %cond3A_134 = arith.cmpi ne, %convert_element_type3A_132, %cond3A_133 : i32
      scf.if %cond3A_134 {
        %add3A_135 = arith.constant 3 : i32
        %add3A_136 = arith.addi %add3A_119, %add3A_135 : i32
        %mul3A_137 = arith.constant 80 : i32
        %mul3A_138 = arith.muli %add3A_136, %mul3A_137 : i32
        %dma_start3A_139 = tpu.memref_slice %arg6[%mul3A_138] : memref<10000xi32, #tpu.memory_space<vmem>> -> memref<80xi32, #tpu.memory_space<vmem>>
        %dma_start3A_140 = arith.constant 0 : i32
        %dma_start3A_141 = arith.constant 0 : i32
        %dma_start3A_142 = tpu.memref_slice %arg2[%dma_start3A_140, %dma_start3A_141] : memref<10000x128xf32, #tpu.memory_space<hbm>> -> memref<10000x128xf32, #tpu.memory_space<hbm>>
        tpu.enqueue_indirect_dma source(%dma_start3A_142 : memref<10000x128xf32, #tpu.memory_space<hbm>>) target(%arg10 : memref<80x128xf32, #tpu.memory_space<vmem>>) offsets(%dma_start3A_139 : memref<80xi32, #tpu.memory_space<vmem>>) semaphore(%arg14 : memref<!tpu.dma_semaphore, #tpu.memory_space<semaphore_mem>>)
      } else {
      }
    }
    %scan3A_58 = arith.constant 41 : i32
    %dma_wait3A = arith.constant 9840 : i32
    %dma_wait3A_59 = tpu.memref_slice %arg6[%dma_wait3A] : memref<10000xi32, #tpu.memory_space<vmem>> -> memref<80xi32, #tpu.memory_space<vmem>>
    %dma_wait3A_60 = arith.constant 0 : i32
    %dma_wait3A_61 = arith.constant 0 : i32
    %dma_wait3A_62 = tpu.memref_slice %arg2[%dma_wait3A_60, %dma_wait3A_61] : memref<10000x128xf32, #tpu.memory_space<hbm>> -> memref<10000x128xf32, #tpu.memory_space<hbm>>
    tpu.wait_indirect_dma semaphore(%arg12 : memref<!tpu.dma_semaphore, #tpu.memory_space<semaphore_mem>>) src(%dma_wait3A_62 : memref<10000x128xf32, #tpu.memory_space<hbm>>) dst(%arg8 : memref<80x128xf32, #tpu.memory_space<vmem>>)
    "tpu.region"() ({
      %run_scoped3A = tpu.sem_alloc : memref<!tpu.dma_semaphore, #tpu.memory_space<semaphore_mem>>
      %dma_start3A_79 = arith.constant 9840 : i32
      %dma_start3A_80 = tpu.memref_slice %arg7[%dma_start3A_79] : memref<10000xi32, #tpu.memory_space<vmem>> -> memref<80xi32, #tpu.memory_space<vmem>>
      %dma_start3A_81 = arith.constant 0 : i32
      %dma_start3A_82 = arith.constant 0 : i32
      %dma_start3A_83 = tpu.memref_slice %arg11[%dma_start3A_81, %dma_start3A_82] : memref<10000x128xf32, #tpu.memory_space<vmem_shared>> -> memref<10000x128xf32, #tpu.memory_space<vmem_shared>>
      tpu.enqueue_indirect_dma source(%arg8 : memref<80x128xf32, #tpu.memory_space<vmem>>) target(%dma_start3A_83 : memref<10000x128xf32, #tpu.memory_space<vmem_shared>>) offsets(%dma_start3A_80 : memref<80xi32, #tpu.memory_space<vmem>>) semaphore(%run_scoped3A : memref<!tpu.dma_semaphore, #tpu.memory_space<semaphore_mem>>) {add = true}
      %dma_wait3A_84 = arith.constant 9840 : i32
      %dma_wait3A_85 = tpu.memref_slice %arg7[%dma_wait3A_84] : memref<10000xi32, #tpu.memory_space<vmem>> -> memref<80xi32, #tpu.memory_space<vmem>>
      %dma_wait3A_86 = arith.constant 0 : i32
      %dma_wait3A_87 = arith.constant 0 : i32
      %dma_wait3A_88 = tpu.memref_slice %arg11[%dma_wait3A_86, %dma_wait3A_87] : memref<10000x128xf32, #tpu.memory_space<vmem_shared>> -> memref<10000x128xf32, #tpu.memory_space<vmem_shared>>
      tpu.wait_indirect_dma semaphore(%run_scoped3A : memref<!tpu.dma_semaphore, #tpu.memory_space<semaphore_mem>>) src(%arg8 : memref<80x128xf32, #tpu.memory_space<vmem>>) dst(%dma_wait3A_88 : memref<10000x128xf32, #tpu.memory_space<vmem_shared>>)
      tpu.yield
    }) : () -> ()
    %dma_wait3A_63 = arith.constant 9920 : i32
    %dma_wait3A_64 = tpu.memref_slice %arg6[%dma_wait3A_63] : memref<10000xi32, #tpu.memory_space<vmem>> -> memref<80xi32, #tpu.memory_space<vmem>>
    %dma_wait3A_65 = arith.constant 0 : i32
    %dma_wait3A_66 = arith.constant 0 : i32
    %dma_wait3A_67 = tpu.memref_slice %arg2[%dma_wait3A_65, %dma_wait3A_66] : memref<10000x128xf32, #tpu.memory_space<hbm>> -> memref<10000x128xf32, #tpu.memory_space<hbm>>
    tpu.wait_indirect_dma semaphore(%arg13 : memref<!tpu.dma_semaphore, #tpu.memory_space<semaphore_mem>>) src(%dma_wait3A_67 : memref<10000x128xf32, #tpu.memory_space<hbm>>) dst(%arg9 : memref<80x128xf32, #tpu.memory_space<vmem>>)
    "tpu.region"() ({
      %run_scoped3A = tpu.sem_alloc : memref<!tpu.dma_semaphore, #tpu.memory_space<semaphore_mem>>
      %dma_start3A_79 = arith.constant 9920 : i32
      %dma_start3A_80 = tpu.memref_slice %arg7[%dma_start3A_79] : memref<10000xi32, #tpu.memory_space<vmem>> -> memref<80xi32, #tpu.memory_space<vmem>>
      %dma_start3A_81 = arith.constant 0 : i32
      %dma_start3A_82 = arith.constant 0 : i32
      %dma_start3A_83 = tpu.memref_slice %arg11[%dma_start3A_81, %dma_start3A_82] : memref<10000x128xf32, #tpu.memory_space<vmem_shared>> -> memref<10000x128xf32, #tpu.memory_space<vmem_shared>>
      tpu.enqueue_indirect_dma source(%arg9 : memref<80x128xf32, #tpu.memory_space<vmem>>) target(%dma_start3A_83 : memref<10000x128xf32, #tpu.memory_space<vmem_shared>>) offsets(%dma_start3A_80 : memref<80xi32, #tpu.memory_space<vmem>>) semaphore(%run_scoped3A : memref<!tpu.dma_semaphore, #tpu.memory_space<semaphore_mem>>) {add = true}
      %dma_wait3A_84 = arith.constant 9920 : i32
      %dma_wait3A_85 = tpu.memref_slice %arg7[%dma_wait3A_84] : memref<10000xi32, #tpu.memory_space<vmem>> -> memref<80xi32, #tpu.memory_space<vmem>>
      %dma_wait3A_86 = arith.constant 0 : i32
      %dma_wait3A_87 = arith.constant 0 : i32
      %dma_wait3A_88 = tpu.memref_slice %arg11[%dma_wait3A_86, %dma_wait3A_87] : memref<10000x128xf32, #tpu.memory_space<vmem_shared>> -> memref<10000x128xf32, #tpu.memory_space<vmem_shared>>
      tpu.wait_indirect_dma semaphore(%run_scoped3A : memref<!tpu.dma_semaphore, #tpu.memory_space<semaphore_mem>>) src(%arg9 : memref<80x128xf32, #tpu.memory_space<vmem>>) dst(%dma_wait3A_88 : memref<10000x128xf32, #tpu.memory_space<vmem_shared>>)
      tpu.yield
    }) : () -> ()
    %barrier3A_68 = arith.constant 0 : index
    tpu.barrier barrier_id(%barrier3A_68)
    %lt3A_69 = arith.constant 15 : i32
    %lt3A_70 = arith.cmpi slt, %arg1, %lt3A_69 : i32
    %convert_element_type3A_71 = arith.extui %lt3A_70 : i1 to i32
    %cond3A_72 = arith.constant 0 : i32
    %cond3A_73 = arith.cmpi ne, %convert_element_type3A_71, %cond3A_72 : i32
    scf.if %cond3A_73 {
      %mul3A_79 = arith.constant 624 : i32
      %mul3A_80 = arith.muli %arg1, %mul3A_79 : i32
      %mul3A_81 = arith.constant 10000 : i32
      %mul3A_82 = arith.muli %arg0, %mul3A_81 : i32
      %add3A_83 = arith.addi %mul3A_82, %mul3A_80 : i32
      "tpu.region"() ({
        %run_scoped3A = tpu.sem_alloc : memref<!tpu.dma_semaphore, #tpu.memory_space<semaphore_mem>>
        %dma_start3A_84 = arith.constant 0 : i32
        %dma_start3A_85 = tpu.memref_slice %arg5[%add3A_83, %dma_start3A_84] : memref<20000x128xf32, #tpu.memory_space<hbm>> -> memref<624x128xf32, #tpu.memory_space<hbm>>
        %dma_start3A_86 = arith.constant 0 : i32
        %dma_start3A_87 = tpu.memref_slice %arg11[%mul3A_80, %dma_start3A_86] : memref<10000x128xf32, #tpu.memory_space<vmem_shared>> -> memref<624x128xf32, #tpu.memory_space<vmem_shared>>
        tpu.enqueue_dma source(%dma_start3A_87 : memref<624x128xf32, #tpu.memory_space<vmem_shared>>) target(%dma_start3A_85 : memref<624x128xf32, #tpu.memory_space<hbm>>) target_semaphore(%run_scoped3A : memref<!tpu.dma_semaphore, #tpu.memory_space<semaphore_mem>>)
        %dma_wait3A_88 = arith.constant 0 : i32
        %dma_wait3A_89 = tpu.memref_slice %arg5[%add3A_83, %dma_wait3A_88] : memref<20000x128xf32, #tpu.memory_space<hbm>> -> memref<624x128xf32, #tpu.memory_space<hbm>>
        %dma_wait3A_90 = arith.constant 0 : i32
        %dma_wait3A_91 = tpu.memref_slice %arg11[%mul3A_80, %dma_wait3A_90] : memref<10000x128xf32, #tpu.memory_space<vmem_shared>> -> memref<624x128xf32, #tpu.memory_space<vmem_shared>>
        tpu.wait_dma2 semaphore(%run_scoped3A : memref<!tpu.dma_semaphore, #tpu.memory_space<semaphore_mem>>) src(%dma_wait3A_91 : memref<624x128xf32, #tpu.memory_space<vmem_shared>>) dst(%dma_wait3A_89 : memref<624x128xf32, #tpu.memory_space<hbm>>)
        tpu.yield
      }) : () -> ()
    } else {
    }
    %eq3A_74 = arith.constant 15 : i32
    %eq3A_75 = arith.cmpi eq, %arg1, %eq3A_74 : i32
    %convert_element_type3A_76 = arith.extui %eq3A_75 : i1 to i32
    %cond3A_77 = arith.constant 0 : i32
    %cond3A_78 = arith.cmpi ne, %convert_element_type3A_76, %cond3A_77 : i32
    scf.if %cond3A_78 {
      %mul3A_79 = arith.constant 10000 : i32
      %mul3A_80 = arith.muli %arg0, %mul3A_79 : i32
      %add3A_81 = arith.constant 9360 : i32
      %add3A_82 = arith.addi %mul3A_80, %add3A_81 : i32
      "tpu.region"() ({
        %run_scoped3A = tpu.sem_alloc : memref<!tpu.dma_semaphore, #tpu.memory_space<semaphore_mem>>
        %dma_start3A_83 = arith.constant 0 : i32
        %dma_start3A_84 = tpu.memref_slice %arg5[%add3A_82, %dma_start3A_83] : memref<20000x128xf32, #tpu.memory_space<hbm>> -> memref<640x128xf32, #tpu.memory_space<hbm>>
        %dma_start3A_85 = arith.constant 9360 : i32
        %dma_start3A_86 = arith.constant 0 : i32
        %dma_start3A_87 = tpu.memref_slice %arg11[%dma_start3A_85, %dma_start3A_86] : memref<10000x128xf32, #tpu.memory_space<vmem_shared>> -> memref<640x128xf32, #tpu.memory_space<vmem_shared>>
        tpu.enqueue_dma source(%dma_start3A_87 : memref<640x128xf32, #tpu.memory_space<vmem_shared>>) target(%dma_start3A_84 : memref<640x128xf32, #tpu.memory_space<hbm>>) target_semaphore(%run_scoped3A : memref<!tpu.dma_semaphore, #tpu.memory_space<semaphore_mem>>)
        %dma_wait3A_88 = arith.constant 0 : i32
        %dma_wait3A_89 = tpu.memref_slice %arg5[%add3A_82, %dma_wait3A_88] : memref<20000x128xf32, #tpu.memory_space<hbm>> -> memref<640x128xf32, #tpu.memory_space<hbm>>
        %dma_wait3A_90 = arith.constant 9360 : i32
        %dma_wait3A_91 = arith.constant 0 : i32
        %dma_wait3A_92 = tpu.memref_slice %arg11[%dma_wait3A_90, %dma_wait3A_91] : memref<10000x128xf32, #tpu.memory_space<vmem_shared>> -> memref<640x128xf32, #tpu.memory_space<vmem_shared>>
        tpu.wait_dma2 semaphore(%run_scoped3A : memref<!tpu.dma_semaphore, #tpu.memory_space<semaphore_mem>>) src(%dma_wait3A_92 : memref<640x128xf32, #tpu.memory_space<vmem_shared>>) dst(%dma_wait3A_89 : memref<640x128xf32, #tpu.memory_space<hbm>>)
        tpu.yield
      }) : () -> ()
    } else {
    }
    return
  }
}

module attributes {stable_mosaic.version = 14 : i64} {
  func.func @_combine_body(%arg0: i32, %arg1: memref<2000x128xf32, #tpu.memory_space<vmem>>, %arg2: memref<2000x128xf32, #tpu.memory_space<vmem>>, %arg3: memref<1x128xf32, #tpu.memory_space<vmem>>, %arg4: memref<2000x128xf32, #tpu.memory_space<vmem>>) attributes {dimension_semantics = [#tpu.dimension_semantics<arbitrary>], iteration_bounds = array<i64: 5>, scalar_prefetch = 0 : i64, scratch_operands = 0 : i64, tpu.core_type = #tpu.core_type<tc>, window_params = [{transform_indices = @transform_0, window_bounds = array<i64: 2000, 128>}, {transform_indices = @transform_1, window_bounds = array<i64: 2000, 128>}, {pipeline_mode = #tpu.pipeline_mode<synchronous>, transform_indices = @transform_2, window_bounds = array<i64: 1, 128>}, {transform_indices = @transform_3, window_bounds = array<i64: 2000, 128>}]} {
    %get3A = arith.constant 0 : index
    %get3A_0 = arith.constant 0 : index
    %get3A_1 = vector.load %arg1[%get3A, %get3A_0] : memref<2000x128xf32, #tpu.memory_space<vmem>>, vector<2000x128xf32>
    %get3A_2 = arith.constant 0 : index
    %get3A_3 = arith.constant 0 : index
    %get3A_4 = vector.load %arg2[%get3A_2, %get3A_3] : memref<2000x128xf32, #tpu.memory_space<vmem>>, vector<2000x128xf32>
    %add3A = arith.addf %get3A_1, %get3A_4 : vector<2000x128xf32>
    %get3A_5 = arith.constant 0 : index
    %get3A_6 = arith.constant 0 : index
    %get3A_7 = vector.load %arg3[%get3A_5, %get3A_6] : memref<1x128xf32, #tpu.memory_space<vmem>>, vector<1x128xf32>
    %mul3A = vector.broadcast %get3A_7 : vector<1x128xf32> to vector<2000x128xf32>
    %mul3A_8 = arith.mulf %add3A, %mul3A : vector<2000x128xf32>
    %swap3A = arith.constant 0 : index
    %swap3A_9 = arith.constant 0 : index
    %swap3A_10 = vector.load %arg4[%swap3A, %swap3A_9] : memref<2000x128xf32, #tpu.memory_space<vmem>>, vector<2000x128xf32>
    tpu.vector_store %arg4[%swap3A, %swap3A_9], %mul3A_8 {strides = array<i32>} : memref<2000x128xf32, #tpu.memory_space<vmem>>, vector<2000x128xf32>,
    return
  }
  func.func @transform_0(%arg0: i32) -> (i32, i32) {
    %c0_i32 = arith.constant 0 : i32
    %c0_i32_0 = arith.constant 0 : i32
    return %arg0, %c0_i32 : i32, i32
  }
  func.func @transform_1(%arg0: i32) -> (i32, i32) {
    %add3A = arith.constant 5 : i32
    %add3A_0 = arith.addi %arg0, %add3A : i32
    %c0_i32 = arith.constant 0 : i32
    %c0_i32_1 = arith.constant 0 : i32
    return %add3A_0, %c0_i32 : i32, i32
  }
  func.func @transform_2(%arg0: i32) -> (i32, i32) {
    %c0_i32 = arith.constant 0 : i32
    %c0_i32_0 = arith.constant 0 : i32
    %c0_i32_1 = arith.constant 0 : i32
    return %c0_i32, %c0_i32_0 : i32, i32
  }
  func.func @transform_3(%arg0: i32) -> (i32, i32) {
    %c0_i32 = arith.constant 0 : i32
    %c0_i32_0 = arith.constant 0 : i32
    return %arg0, %c0_i32 : i32, i32
  }
}

</mosaic_0001>

<sc_bundles>
// kernel: kernel.4.cloned.1.call-start
scs
__scs_entry_jumppad:
0x0: {  	(pc) =	sbr.rel $0x88, $3  }
0x1: {  	(tag) =	ssettag $0x0;
	lr =	simm.s32 $0x1  }
0x2: {  	[smem:$0x3F9E] =	sst lr;
	_ =	strace $0xD0000000  }
0x3: {  	_ = 	snop  }
0x4: {  	_ = 	snop  }
0x5: {  	_ = 	snop  }
0x6: {  	_ = 	snop  }
0x7: {  	_ = 	snop  }
__scs_overlays_trampoline_lowered:
0x8: {  	[smem:$0x3FAD] =	sst s0  }
0x9: {  	[smem:$0x3FAE] =	sst s1  }
0xa: {  	[smem:$0x3FAF] =	sst s2  }
0xb: {  	[smem:$0x3FB0] =	sst s3  }
0xc: {  	[smem:$0x3FB1] =	sst s4  }
0xd: {  	[smem:$0x3FB2] =	sst s5  }
0xe: {  	[smem:$0x3FB3] =	sst s6  }
0xf: {  	[smem:$0x3FB4] =	sst s7  }
0x10: {  	[smem:$0x3FB5] =	sst s8  }
0x11: {  	[smem:$0x3FB6] =	sst s9;
	s0 =	simm.s32 @!p0 $0x0  }
0x12: {  	s1 =	sld [smem:$0x3F9C];
	s0 =	simm.s32 @p0 $0x1  }
0x13: {  	[smem:$0x3FB7] =	sst s0;
	s0 =	simm.s32 @!p1 $0x0  }
0x14: {  	s2 =	sld [smem:$0x3F9B];
	s0 =	simm.s32 @p1 $0x1  }
0x15: {  	[smem:$0x3FB8] =	sst s0;
	s0 =	simm.s32 @!p2 $0x0  }
0x16: {  	s3 =	sld [smem:$0x3FDB];
	s0 =	simm.s32 @p2 $0x1  }
0x17: {  	s4 =	simm.s32 $0x1BF5;
	[smem:$0x3FBA] =	sst s0  }
0x18: {  	s0 =	sld [smem:$0x3F9D];
	_ =	swait.ge [sflag:s4], $0x0  }
0x19: {  	s7 =	sld [smem:$0x3F9E]  }
0x1a: {  	s8 =	sadd.s32 $0xFFFFE003, lr  }
0x1b: {  	s9 =	sadd.s32 $0xFFFFFEF7, lr;
	s5 =	simm.s32 $0xFFFFFFFF;
	p2 =	slt.u32 s8, $0xFFFFF086  }
0x1c: {  	p1 =	slt.u32 s9, $0xF7A;
	s5 =	simm.s32 @!p2 $0x0  }
0x1d: {  	s5 =	simm.s32 @p1 $0x1;
	p0 =	seq.s32 s7, s2  }
0x1e: {  	s7 =	smul.u32 @!p0 $0xF7A, s2;
	p2 =	seq.s32 @!p0 s5, $0x0  }
0x1f: {  	s9 =	smul.u32 $0xF7A, s1;
	s8 =	simm.s32 @!p0 $0x1BF5;
	p2 =	por !p2, p0  }
0x20: {  	[sflag:s8] =	ssyncset.s32 @!p0 $0xFFFFF086;
	s6 =	sadd.s32 @!p0 s3, s7;
	s7 =	simm.s32 @!p0 $0x108  }
0x21: {  	s3 =	sadd.s32 s3, s9;
	s6 =	sadd.s32 @!p0 $0x88, s6;
	s7 =	simm.s32 @p2 $0x1082  }
0x22: {  	[simem:s7], [sflag:s8] =	dma.local @!p0 [hbm:s6], $0xF7A  }
0x23: {  	s9 =	sor.u32 $0xD0000000, s2;
	s6 =	simm.s32 $0x108;
	_ =	swait.ge @!p0 [sflag:s8], $0x0  }
0x24: {  	s3 =	sadd.s32 $0x88, s3;
	s6 =	simm.s32 @!p1 $0x1082;
	[sflag:s4] =	ssyncset.s32 $0xFFFFF086  }
0x25: {  	[simem:s6], [sflag:s4] =	dma.local [hbm:s3], $0xF7A  }
0x26: {  	[smem:$0x3F9E] =	sst s1;
	(tag) =	ssettag s2;
	_ =	strace s9  }
0x27: {  	s1 =	sld [smem:$0x3FAE]  }
0x28: {  	s2 =	sld [smem:$0x3FAF]  }
0x29: {  	s4 =	sld [smem:$0x3FB1]  }
0x2a: {  	p0 =	seq.s32 s5, $0x0;
	s5 =	sld [smem:$0x3FB2]  }
0x2b: {  	s6 =	sld [smem:$0x3FB3]  }
0x2c: {  	s7 =	sld [smem:$0x3FB4]  }
0x2d: {  	s3 =	simm.s32 $0x108;
	s8 =	sld [smem:$0x3FB5]  }
0x2e: {  	s3 =	simm.s32 @!p0 $0x1082;
	s9 =	sld [smem:$0x3FB6]  }
0x2f: {  	lr =	sadd.s32 s0, s3;
	s0 =	sld [smem:$0x3FAD]  }
0x30: {  	s3 =	sld [smem:$0x3FB0]  }
0x31: {  	[smem:$0x3FB9] =	sst s10  }
0x32: {  	s10 =	sld [smem:$0x3FB7];
	_ =	sdelay $0x3  }
0x33: {  	p0 =	seq.s32 s10, $0x1;
	s10 =	sld [smem:$0x3FB9];
	_ =	sdelay $0x3  }
0x34: {  	[smem:$0x3FB9] =	sst s10  }
0x35: {  	s10 =	sld [smem:$0x3FB8];
	_ =	sdelay $0x3  }
0x36: {  	p1 =	seq.s32 s10, $0x1;
	s10 =	sld [smem:$0x3FB9];
	_ =	sdelay $0x3  }
0x37: {  	[smem:$0x3FB9] =	sst s10  }
0x38: {  	s10 =	sld [smem:$0x3FBA]  }
0x39: {  	_ = 	snop;
	(pc) =	sbr.ind lr, $3  }
0x3a: {  	_ = 	snop  }
0x3b: {  	_ = 	snop  }
0x3c: {  	p2 =	seq.s32 s10, $0x1;
	s10 =	sld [smem:$0x3FB9]  }
0x3d: {  	_ =	shalt  }
0x3e: {  	_ =	shalt  }
0x3f: {  	_ =	shalt  }
0x40: {  	_ =	shalt  }
0x41: {  	_ =	shalt  }
0x42: {  	_ =	shalt  }
0x43: {  	_ =	shalt  }
0x44: {  	_ =	shalt  }
0x45: {  	_ =	shalt  }
0x46: {  	_ =	shalt  }
0x47: {  	_ =	shalt  }
0x48: {  	_ =	shalt  }
0x49: {  	_ =	shalt  }
0x4a: {  	_ =	shalt  }
0x4b: {  	_ =	shalt  }
0x4c: {  	_ =	shalt  }
0x4d: {  	_ =	shalt  }
0x4e: {  	_ =	shalt  }
0x4f: {  	_ =	shalt  }
0x50: {  	_ =	shalt  }
0x51: {  	_ =	shalt  }
0x52: {  	_ =	shalt  }
0x53: {  	_ =	shalt  }
0x54: {  	_ =	shalt  }
0x55: {  	_ =	shalt  }
0x56: {  	_ =	shalt  }
0x57: {  	_ =	shalt  }
0x58: {  	_ =	shalt  }
0x59: {  	_ =	shalt  }
0x5a: {  	_ =	shalt  }
0x5b: {  	_ =	shalt  }
0x5c: {  	_ =	shalt  }
0x5d: {  	_ =	shalt  }
0x5e: {  	_ =	shalt  }
0x5f: {  	_ =	shalt  }
0x60: {  	_ =	shalt  }
0x61: {  	_ =	shalt  }
0x62: {  	_ =	shalt  }
0x63: {  	_ =	shalt  }
0x64: {  	_ =	shalt  }
0x65: {  	_ =	shalt  }
0x66: {  	_ =	shalt  }
0x67: {  	_ =	shalt  }
0x68: {  	_ =	shalt  }
0x69: {  	_ =	shalt  }
0x6a: {  	_ =	shalt  }
0x6b: {  	_ =	shalt  }
0x6c: {  	_ =	shalt  }
0x6d: {  	_ =	shalt  }
0x6e: {  	_ =	shalt  }
0x6f: {  	_ =	shalt  }
0x70: {  	_ =	shalt  }
0x71: {  	_ =	shalt  }
0x72: {  	_ =	shalt  }
0x73: {  	_ =	shalt  }
0x74: {  	_ =	shalt  }
0x75: {  	_ =	shalt  }
0x76: {  	_ =	shalt  }
0x77: {  	_ =	shalt  }
0x78: {  	_ =	shalt  }
0x79: {  	_ =	shalt  }
0x7a: {  	_ =	shalt  }
0x7b: {  	_ =	shalt  }
0x7c: {  	_ =	shalt  }
0x7d: {  	_ =	shalt  }
0x7e: {  	_ =	shalt  }
0x7f: {  	_ =	shalt  }
0x80: {  	_ =	shalt  }
0x81: {  	_ =	shalt  }
0x82: {  	_ =	shalt  }
0x83: {  	_ =	shalt  }
0x84: {  	_ =	shalt  }
0x85: {  	_ =	shalt  }
0x86: {  	_ =	shalt  }
0x87: {  	_ =	shalt  }
.Lfunc_end0:
.L_simem_size_0:
called_computation_lowered:
.L_overlay_start_0:
0x88: {  	s2 =	sld [smem:$0x3FD9]  }
0x89: {  	s3 =	sld [smem:$0x3FFE];
	_ =	sdelay $0x1  }
0x8a: {  	s1 =	srdreg.scid  }
0x8b: {  	s0 =	sand.u32 $0x1, s1  }
0x8c: {  	s17 =	sshll.u32 s0, $0xA;
	s2 =	sadd.s32 s3, s2  }
0x8d: {  	s2 =	sadd.s32 s2, s17  }
0x8e: {  	[smem:$0x3FC5] =	sst s2  }
0x8f: {  	_ = 	snop  }
0x90: {  	s2 =	sld [smem:$0x3FC9]  }
0x91: {  	s18 =	sld [smem:$0x3FD0];
	(tm) =	ssettm $0x1  }
0x92: {  	s4 =	sld [smem:$0x3FFB];
	_ =	sdelay $0x3  }
0x93: {  	_ =	strace s4  }
0x94: {  	s4 =	sld [smem:$0x3FFC];
	_ =	sdelay $0x3  }
0x95: {  	_ =	strace s4  }
0x96: {  	s4 =	sld [smem:$0x3FFD];
	_ =	sdelay $0x3  }
0x97: {  	_ =	strace s4  }
0x98: {  	_ =	strace $0x8FFFFFFF  }
0x99: {  	s19 =	sld [smem:$0x3FDB];
	_ =	sdelay $0x1  }
0x9a: {  	s5 =	simm.s32 $_scs_section_size  }
0x9b: {  	s6 =	simm.s32 $_size__tile_overlayer_lowered;
	s7 =	simm.s32 $_tile_overlayer_lowered  }
0x9c: {  	s22 =	simm.s32 $0x1BFF;
	s21 =	sshll.u32 s7, $0x1;
	s4 =	sadd.s32 s5, s19  }
0x9d: {  	s8 =	simm.s32 $0x0;
	s20 =	sshll.u32 s6, $0x1;
	s6 =	sadd.s32 s21, s4  }
0x9e: {  	[timem:s8], [sflag:s22] =	dma.local [hbm:s6], s20  }
0x9f: {  	_ =	swait.ge [sflag:s22], s20  }
0xa0: {  	s5 =	ssub.s32 $0x0, s20;
	[sflag:s22] =	ssyncset.done $0x0  }
0xa1: {  	[sflag:s22] =	ssyncadd.s32 s5;
	_ =	sdelay $0x1  }
0xa2: {  	s23 =	simm.s32 $0x1B8B  }
0xa3: {  	_ =	swait.ge [sflag:s23], $0x1  }
0xa4: {  	[sflag:s23] =	ssyncset.done $0x0  }
0xa5: {  	s25 =	simm.s32 $0x1B8E;
	s24 =	sld [smem:$0x3FFE];
	[sflag:s23] =	ssyncadd.s32 $0xFFFFFFFF  }
0xa6: {  	s26 =	simm.s32 $execute0_lowered;
	[smem:$0x3FD2] =	sst s25  }
0xa7: {  	s6 =	sshll.u32 s26, $0x1;
	_ =	strace $0x80000046;
	[dreg:$0x1] =	wrdreg $0xFFFFFFFF  }
0xa8: {  	s28 =	simm.s32 $_size_execute0_lowered;
	s4 =	sadd.s32 s4, s6;
	[dreg:$0x0] =	wrdreg $0x0  }
0xa9: {  	s6 =	sshll.u32 s28, $0x1;
	[dreg:$0x2] =	wrdreg s4  }
0xaa: {  	[dreg:$0x3] =	wrdreg s6  }
0xab: {  	[dreg:$0x4] =	wrdreg $0xC0  }
0xac: {  	_ =	task [dreg:s8], $0x5FFFF  }
0xad: {  	[dreg:$0x1] =	wrdreg $0xFFFFFFFF  }
0xae: {  	[dreg:$0x0] =	wrdreg $0x60  }
0xaf: {  	[dreg:$0x2] =	wrdreg s2  }
0xb0: {  	[dreg:$0x3] =	wrdreg s18  }
0xb1: {  	[dreg:$0x4] =	wrdreg s24  }
0xb2: {  	[dreg:$0x5] =	wrdreg $0xC7000  }
0xb3: {  	[dreg:$0x6] =	wrdreg $0x9  }
0xb4: {  	_ =	task.clear_ibuf [dreg:s8], $0x7FFFF;
	_ =	strace $0x90000046  }
0xb5: {  	s29 =	simm.s32 $0x9;
	_ =	strace $0x80000048  }
0xb6: {  	_ =	swait.ge [sflag:s29], $0x1  }
0xb7: {  	[sflag:s29] =	ssyncadd.s32 $0xFFFFFFFF  }
0xb8: {  	_ =	strace $0x90000048  }
0xb9: {  	_ =	sfence  }
0xba: {  	s30 =	sld [smem:$0x0];
	_ =	sdelay $0x2  }
0xbb: {  	s31 =	sshll.u32 s1, $0xD;
	s1 =	sshrl.u32 s1, $0x2  }
0xbc: {  	s3 =	sand.u32 $0x4000, s31;
	s1 =	sadd.s32 s1, s30  }
0xbd: {  	s0 =	sor.u32 s3, s0;
	s1 =	sshll.u32 s1, $0x11  }
0xbe: {  	s0 =	sor.u32 s1, s0  }
0xbf: {  	s0 =	sadd.s32 $0x8F2B, s0  }
0xc0: {  	[sflag:s0] =	ssyncadd.remote.s32 $0x1  }
0xc1: {  	_ =	sfence.sel $0xFFFF  }
0xc2: {  	[dreg:$0x0] =	wrdreg $0xFFFFFFFF;
	(pc) =	sbr.abs _section_cstart, $3  }
0xc3: {  	[dreg:$0x1] =	wrdreg $0xFFFFFFFF  }
0xc4: {  	_ =	task.clear_ibuf [dreg:s8], $0x2FFFF;
	_ =	strace $0x9FFFFFFF  }
0xc5: {  	(tm) =	ssettm $0x7FFFFFFF  }
tec
execute0_lowered:
.L_overlay_start_1:
0x0: {  	(tag) =	ssettag $0x1  }
0x1: {  	s0 =	rddreg [dreg:$0x0]  }
0x2: {  	s2 =	rddreg [dreg:$0x1]  }
0x3: {  	s1 =	srdreg.scid;
	s4 =	rddreg [dreg:$0x2]  }
0x4: {  	s22 =	stileid.u32;
	s3 =	rddreg [dreg:$0x3];
	s6 =	simm.s32 $0x0  }
0x5: {  	s19 =	simm.s32 $0x80;
	s20 =	simm.s32 $0x400;
	s29 =	simm.s32 $0x9F00  }
0x6: {  	s30 =	simm.s32 $0x1;
	s31 =	simm.s32 $0x2;
	s28 =	simm.s32 $0x0  }
0x7: {  	s1 =	sand.u32 $0x1, s1;
	[smem:$0x7FF] =	sst s6;
	s23 =	smul.u32 $0x4E000, s22  }
0x8: {  	s21 =	sshll.u32 s22, $0x7;
	s17 =	sadd.s32 $0x9E00, s4;
	s25 =	smul.u32 $0x2700, s22  }
0x9: {  	s15 =	sadd.s32 $0x136000, s3;
	p0 =	seq.s32 s22, $0xF;
	s5 =	sshll.u32 s1, $0x4  }
0xa: {  	_ =	strace $0x80000047;
	s6 =	sand.u32 $0x380, s21;
	s26 =	smul.u32 $0x27100, s1  }
0xb: {  	s7 =	ssub.s32 $0x2, s1;
	s1 =	smul.u32 $0x138800, s1;
	s21 =	simm.s32 $0x4  }
0xc: {  	s5 =	sor.u32 s22, s5;
	s8 =	sshrl.u32 s7, $0x1;
	s24 =	sshrl.u32 s23, $0x2  }
0xd: {  	s23 =	simm.s32 $0x4F00;
	s5 =	sshrl.u32 s5, $0x3;
	s18 =	ssub.s32 s7, s8  }
0xe: {  	s7 =	sadd.s32 s24, s3;
	s1 =	sshrl.u32 s1, $0x3;
	s5 =	smul.u32 $0x13C00, s5  }
0xf: {  	s24 =	simm.s32 $0x50;
	s8 =	sadd.s32 $0x2800, s7;
	s10 =	sadd.s32 $0x7800, s7  }
0x10: {  	s11 =	sadd.s32 $0xA000, s7;
	s12 =	sadd.s32 $0xC800, s7;
	s5 =	sor.u32 s6, s5  }
0x11: {  	s13 =	sadd.s32 $0xF000, s7;
	s14 =	sadd.s32 $0x11800, s7;
	s9 =	sshrl.u32 s5, $0x3  }
0x12: {  	s1 =	sadd.s32 s17, s1;
	s18 =	smax.u32 s18, $0x1;
	s5 =	sadd.s32 s2, s9  }
0x13: {  	s6 =	sadd.s32 s4, s9;
	s9 =	sadd.s32 $0x5000, s7;
	s2 =	sadd.s32 s25, s26  }
0x14: {  	s26 =	simm.s32 $0x7700;
	s16 =	sadd.s32 s17, s2;
	s2 =	sadd.s32 $0x124800, s3  }
0x15: {  	v0 =	vimm.f32 $0.0e+00;
	s17 =	sadd.s32 $0x24900, s1;
	s25 =	sshrl.u32 @p0 s2, $0x3;
	s2 =	simm.s32 $0x3  }
.LBB2_1:
0x16: {  	s1 =	simm.s32 $0x0  }
0x17: {  	[tilespmem:s1], [sflag:$0x4] =	stream.strided.gather [hbm4b:s5+s19], $0x2780, s20, s19, $0x38;
	[tilespmem:$0x1FF80] =	vst v63  }
0x18: {  	_ =	swait.ge [sflag:s21], $0x2780  }
0x19: {  	[sflag:s21] =	ssyncset.done $0x0  }
0x1a: {  	s22 =	simm.s32 $0x2780;
	[sflag:s21] =	ssyncadd.s32 $0xFFFFD880  }
0x1b: {  	[tilespmem:s22], [sflag:$0x4] =	stream.strided.gather [hbm4b:s6+s19], $0x2780, s20, s19, $0x38;
	[tilespmem:$0x1FF80] =	vst v63  }
0x1c: {  	_ =	swait.ge [sflag:s21], $0x2780  }
0x1d: {  	[sflag:s21] =	ssyncset.done $0x0  }
0x1e: {  	s4 =	simm.s32 $0x0;
	s22 =	simm.s32 $0x200;
	[sflag:s21] =	ssyncadd.s32 $0xFFFFD880  }
.LBB2_2:
0x1f: {  	p1 =	sne.s32 s22, $0x9E00;
	[tilespmem:s4+$0x4F70] =	vst v0  }
0x20: {  	[tilespmem:s4+$0x4F00] =	vst v0  }
0x21: {  	[tilespmem:s4+$0x4F10] =	vst v0  }
.Ltmp0:
0x22: {  	[tilespmem:s4+$0x4F20] =	vst v0;
	(pc) =	sbr.rel @p1 .LBB2_2-.Ltmp0, $4  }
0x23: {  	[tilespmem:s4+$0x4F30] =	vst v0  }
0x24: {  	[tilespmem:s4+$0x4F40] =	vst v0  }
0x25: {  	[tilespmem:s4+$0x4F50] =	vst v0  }
0x26: {  	[tilespmem:s4+$0x4F60] =	vst v0;
	s4 =	sshra.s32 s22, $0x2;
	s22 =	sadd.s32 $0x200, s22  }
0x27: {  	[tilespmem:s4+$0x4F70] =	vst v0  }
0x28: {  	[tilespmem:s4+$0x4F00] =	vst v0  }
0x29: {  	[tilespmem:s4+$0x4F10] =	vst v0  }
0x2a: {  	[tilespmem:s4+$0x4F20] =	vst v0  }
0x2b: {  	[tilespmem:s4+$0x4F30] =	vst v0  }
0x2c: {  	[tilespmem:s4+$0x4F40] =	vst v0  }
0x2d: {  	[tilespmem:s4+$0x4F50] =	vst v0  }
0x2e: {  	[tilespmem:s4+$0x4F60] =	vst v0  }
0x2f: {  	[spmem:s7] =	stream.linear.scatter [tilespmem:s23], [sflag:$0x4], $0x2800, $0x38;
	[tilespmem:$0x1FF80] =	vst v63  }
0x30: {  	_ =	swait.ge [sflag:s21], $0x2800  }
0x31: {  	[sflag:s21] =	ssyncset.done $0x0  }
0x32: {  	[sflag:s21] =	ssyncadd.s32 $0xFFFFD800  }
0x33: {  	[spmem:s8] =	stream.linear.scatter [tilespmem:s23], [sflag:$0x4], $0x2800, $0x38;
	[tilespmem:$0x1FF80] =	vst v63  }
0x34: {  	_ =	swait.ge [sflag:s21], $0x2800  }
0x35: {  	[sflag:s21] =	ssyncset.done $0x0  }
0x36: {  	[sflag:s21] =	ssyncadd.s32 $0xFFFFD800  }
0x37: {  	[spmem:s9] =	stream.linear.scatter [tilespmem:s23], [sflag:$0x4], $0x2800, $0x38;
	[tilespmem:$0x1FF80] =	vst v63  }
0x38: {  	_ =	swait.ge [sflag:s21], $0x2800  }
0x39: {  	[sflag:s21] =	ssyncset.done $0x0  }
0x3a: {  	[sflag:s21] =	ssyncadd.s32 $0xFFFFD800  }
0x3b: {  	[spmem:s10] =	stream.linear.scatter [tilespmem:s23], [sflag:$0x4], $0x2800, $0x38;
	[tilespmem:$0x1FF80] =	vst v63  }
0x3c: {  	_ =	swait.ge [sflag:s21], $0x2800  }
0x3d: {  	[sflag:s21] =	ssyncset.done $0x0  }
0x3e: {  	[sflag:s21] =	ssyncadd.s32 $0xFFFFD800  }
0x3f: {  	[spmem:s11] =	stream.linear.scatter [tilespmem:s23], [sflag:$0x4], $0x2800, $0x38;
	[tilespmem:$0x1FF80] =	vst v63  }
0x40: {  	_ =	swait.ge [sflag:s21], $0x2800  }
0x41: {  	[sflag:s21] =	ssyncset.done $0x0  }
0x42: {  	[sflag:s21] =	ssyncadd.s32 $0xFFFFD800  }
0x43: {  	[spmem:s12] =	stream.linear.scatter [tilespmem:s23], [sflag:$0x4], $0x2800, $0x38;
	[tilespmem:$0x1FF80] =	vst v63  }
0x44: {  	_ =	swait.ge [sflag:s21], $0x2800  }
0x45: {  	[sflag:s21] =	ssyncset.done $0x0  }
0x46: {  	[sflag:s21] =	ssyncadd.s32 $0xFFFFD800  }
0x47: {  	[spmem:s13] =	stream.linear.scatter [tilespmem:s23], [sflag:$0x4], $0x2800, $0x38;
	[tilespmem:$0x1FF80] =	vst v63  }
0x48: {  	_ =	swait.ge [sflag:s21], $0x2800  }
0x49: {  	[sflag:s21] =	ssyncset.done $0x0  }
0x4a: {  	s4 =	simm.s32 @p0 $0x4F00;
	[sflag:s21] =	ssyncadd.s32 $0xFFFFD800  }
0x4b: {  	[spmem:s15] =	stream.linear.scatter @p0 [tilespmem:s4], [sflag:$0x4], $0x2800, $0x38;
	[tilespmem:$0x1FF80] =	vst v63  }
0x4c: {  	s4 =	simm.s32 @p0 $0x4  }
0x4d: {  	_ =	swait.ge @p0 [sflag:s4], $0x2800  }
0x4e: {  	[sflag:s4] =	ssyncset.done @p0 $0x0  }
0x4f: {  	[sflag:s4] =	ssyncadd.s32 @p0 $0xFFFFD800;
	s4 =	simm.s32 @!p0 $0x4F00  }
0x50: {  	[spmem:s14] =	stream.linear.scatter @!p0 [tilespmem:s4], [sflag:$0x4], $0x2000, $0x38;
	[tilespmem:$0x1FF80] =	vst v63  }
0x51: {  	s4 =	simm.s32 @!p0 $0x4  }
0x52: {  	_ =	swait.ge @!p0 [sflag:s4], $0x2000  }
0x53: {  	[sflag:s4] =	ssyncset.done @!p0 $0x0  }
0x54: {  	[sflag:s4] =	ssyncadd.s32 @!p0 $0xFFFFE000  }
0x55: {  	s1 =	simm.s32 $0x0;
	[bflag:$0x0] =	sbarrier.arrive $0xFFFF  }
0x56: {  	[tilespmem:s23], [sflag:$0x1] =	stream.indirect.gather [hbm4b:s0+s24], $0x80, s1, s24, $0xb8;
	[tilespmem:$0x1FF80] =	vst v63  }
0x57: {  	_ = 	snop  }
0x58: {  	[tilespmem:s26], [sflag:$0x2] =	stream.indirect.gather [hbm4b:s0+s24], $0x80, s24, s24, $0xb8;
	[tilespmem:$0x1FF80] =	vst v63  }
0x59: {  	s1 =	simm.s32 $0xA0  }
0x5a: {  	[tilespmem:s29], [sflag:$0x3] =	stream.indirect.gather [hbm4b:s0+s24], $0x80, s1, s24, $0xb8;
	[tilespmem:$0x1FF80] =	vst v63  }
0x5b: {  	_ =	swait.ge [sflag:s30], $0x2800  }
0x5c: {  	[sflag:s30] =	ssyncset.done $0x0  }
0x5d: {  	s22 =	simm.s32 $0x2780;
	[sflag:s30] =	ssyncadd.s32 $0xFFFFD800  }
0x5e: {  	[spmem:s3] =	stream.indirect.scatter.add.f32 [tilespmem:s23], [sflag:$0x4], $0x80, s22, s24, $0xb8;
	[tilespmem:$0x1FF80] =	vst v63  }
0x5f: {  	_ =	swait.ge [sflag:s21], $0x2800  }
0x60: {  	[sflag:s21] =	ssyncset.done $0x0  }
0x61: {  	s1 =	simm.s32 $0xF0;
	[sflag:s21] =	ssyncadd.s32 $0xFFFFD800  }
0x62: {  	[tilespmem:s23], [sflag:$0x1] =	stream.indirect.gather [hbm4b:s0+s24], $0x80, s1, s24, $0xb8;
	[tilespmem:$0x1FF80] =	vst v63  }
0x63: {  	_ =	swait.ge [sflag:s31], $0x2800  }
0x64: {  	[sflag:s31] =	ssyncset.done $0x0  }
0x65: {  	s22 =	simm.s32 $0x27D0;
	[sflag:s31] =	ssyncadd.s32 $0xFFFFD800  }
0x66: {  	[spmem:s3] =	stream.indirect.scatter.add.f32 [tilespmem:s26], [sflag:$0x4], $0x80, s22, s24, $0xb8;
	[tilespmem:$0x1FF80] =	vst v63  }
0x67: {  	_ =	swait.ge [sflag:s21], $0x2800  }
0x68: {  	[sflag:s21] =	ssyncset.done $0x0  }
0x69: {  	s1 =	simm.s32 $0x140;
	[sflag:s21] =	ssyncadd.s32 $0xFFFFD800  }
0x6a: {  	[tilespmem:s26], [sflag:$0x2] =	stream.indirect.gather [hbm4b:s0+s24], $0x80, s1, s24, $0xb8;
	[tilespmem:$0x1FF80] =	vst v63  }
0x6b: {  	_ =	swait.ge [sflag:s2], $0x2800  }
0x6c: {  	[sflag:s2] =	ssyncset.done $0x0  }
0x6d: {  	s22 =	simm.s32 $0x2820;
	[sflag:s2] =	ssyncadd.s32 $0xFFFFD800  }
0x6e: {  	[spmem:s3] =	stream.indirect.scatter.add.f32 [tilespmem:s29], [sflag:$0x4], $0x80, s22, s24, $0xb8;
	[tilespmem:$0x1FF80] =	vst v63  }
0x6f: {  	_ =	swait.ge [sflag:s21], $0x2800  }
0x70: {  	[sflag:s21] =	ssyncset.done $0x0  }
0x71: {  	s4 =	simm.s32 $0x3C0;
	s22 =	simm.s32 $0x190;
	[sflag:s21] =	ssyncadd.s32 $0xFFFFD800  }
.LBB2_4:
0x72: {  	[tilespmem:s29], [sflag:$0x3] =	stream.indirect.gather [hbm4b:s0+s24], $0x80, s22, s24, $0xb8;
	[tilespmem:$0x1FF80] =	vst v63  }
0x73: {  	s22 =	smov.u32 s4  }
0x74: {  	p1 =	sne.s32 s4, $0x9240;
	s4 =	sadd.s32 $0x3C0, s4;
	_ =	swait.ge [sflag:s30], $0x2800  }
0x75: {  	s22 =	sshra.s32 s22, $0x2;
	[sflag:s30] =	ssyncset.done $0x0  }
0x76: {  	s1 =	sadd.s32 $0x2780, s22;
	[sflag:s30] =	ssyncadd.s32 $0xFFFFD800  }
0x77: {  	[spmem:s3] =	stream.indirect.scatter.add.f32 [tilespmem:s23], [sflag:$0x4], $0x80, s1, s24, $0xb8;
	[tilespmem:$0x1FF80] =	vst v63  }
0x78: {  	_ =	swait.ge [sflag:s21], $0x2800  }
0x79: {  	[sflag:s21] =	ssyncset.done $0x0  }
0x7a: {  	s1 =	sadd.s32 $0xF0, s22;
	[sflag:s21] =	ssyncadd.s32 $0xFFFFD800  }
0x7b: {  	[tilespmem:s23], [sflag:$0x1] =	stream.indirect.gather [hbm4b:s0+s24], $0x80, s1, s24, $0xb8;
	[tilespmem:$0x1FF80] =	vst v63  }
0x7c: {  	_ =	swait.ge [sflag:s31], $0x2800  }
0x7d: {  	[sflag:s31] =	ssyncset.done $0x0  }
0x7e: {  	s1 =	sadd.s32 $0x27D0, s22;
	[sflag:s31] =	ssyncadd.s32 $0xFFFFD800  }
0x7f: {  	[spmem:s3] =	stream.indirect.scatter.add.f32 [tilespmem:s26], [sflag:$0x4], $0x80, s1, s24, $0xb8;
	[tilespmem:$0x1FF80] =	vst v63  }
0x80: {  	_ =	swait.ge [sflag:s21], $0x2800  }
0x81: {  	[sflag:s21] =	ssyncset.done $0x0  }
0x82: {  	s1 =	sadd.s32 $0x140, s22;
	[sflag:s21] =	ssyncadd.s32 $0xFFFFD800  }
0x83: {  	[tilespmem:s26], [sflag:$0x2] =	stream.indirect.gather [hbm4b:s0+s24], $0x80, s1, s24, $0xb8;
	[tilespmem:$0x1FF80] =	vst v63  }
0x84: {  	_ =	swait.ge [sflag:s2], $0x2800  }
0x85: {  	[sflag:s2] =	ssyncset.done $0x0  }
.Ltmp1:
0x86: {  	s1 =	sadd.s32 $0x2820, s22;
	[sflag:s2] =	ssyncadd.s32 $0xFFFFD800;
	(pc) =	sbr.rel @p1 .LBB2_4-.Ltmp1, $4  }
0x87: {  	[spmem:s3] =	stream.indirect.scatter.add.f32 [tilespmem:s29], [sflag:$0x4], $0x80, s1, s24, $0xb8;
	[tilespmem:$0x1FF80] =	vst v63  }
0x88: {  	_ =	swait.ge [sflag:s21], $0x2800  }
0x89: {  	[sflag:s21] =	ssyncset.done $0x0  }
0x8a: {  	s22 =	sadd.s32 $0x190, s22;
	[sflag:s21] =	ssyncadd.s32 $0xFFFFD800  }
0x8b: {  	[tilespmem:s29], [sflag:$0x3] =	stream.indirect.gather [hbm4b:s0+s24], $0x80, s22, s24, $0xb8;
	[tilespmem:$0x1FF80] =	vst v63  }
0x8c: {  	_ =	swait.ge [sflag:s30], $0x2800  }
0x8d: {  	[sflag:s30] =	ssyncset.done $0x0  }
0x8e: {  	s1 =	simm.s32 $0x4D00;
	[sflag:s30] =	ssyncadd.s32 $0xFFFFD800  }
0x8f: {  	[spmem:s3] =	stream.indirect.scatter.add.f32 [tilespmem:s23], [sflag:$0x4], $0x80, s1, s24, $0xb8;
	[tilespmem:$0x1FF80] =	vst v63  }
0x90: {  	_ =	swait.ge [sflag:s21], $0x2800  }
0x91: {  	[sflag:s21] =	ssyncset.done $0x0  }
0x92: {  	s4 =	simm.s32 $0x2670;
	[sflag:s21] =	ssyncadd.s32 $0xFFFFD800  }
0x93: {  	[tilespmem:s23], [sflag:$0x1] =	stream.indirect.gather [hbm4b:s0+s24], $0x80, s4, s24, $0xb8;
	[tilespmem:$0x1FF80] =	vst v63  }
0x94: {  	_ =	swait.ge [sflag:s31], $0x2800  }
0x95: {  	[sflag:s31] =	ssyncset.done $0x0  }
0x96: {  	s22 =	simm.s32 $0x4D50;
	[sflag:s31] =	ssyncadd.s32 $0xFFFFD800  }
0x97: {  	[spmem:s3] =	stream.indirect.scatter.add.f32 [tilespmem:s26], [sflag:$0x4], $0x80, s22, s24, $0xb8;
	[tilespmem:$0x1FF80] =	vst v63  }
0x98: {  	_ =	swait.ge [sflag:s21], $0x2800  }
0x99: {  	[sflag:s21] =	ssyncset.done $0x0  }
0x9a: {  	s4 =	simm.s32 $0x26C0;
	[sflag:s21] =	ssyncadd.s32 $0xFFFFD800  }
0x9b: {  	[tilespmem:s26], [sflag:$0x2] =	stream.indirect.gather [hbm4b:s0+s24], $0x80, s4, s24, $0xb8;
	[tilespmem:$0x1FF80] =	vst v63  }
0x9c: {  	_ =	swait.ge [sflag:s2], $0x2800  }
0x9d: {  	[sflag:s2] =	ssyncset.done $0x0  }
0x9e: {  	s22 =	simm.s32 $0x4DA0;
	[sflag:s2] =	ssyncadd.s32 $0xFFFFD800  }
0x9f: {  	[spmem:s3] =	stream.indirect.scatter.add.f32 [tilespmem:s29], [sflag:$0x4], $0x80, s22, s24, $0xb8;
	[tilespmem:$0x1FF80] =	vst v63  }
0xa0: {  	_ =	swait.ge [sflag:s21], $0x2800  }
0xa1: {  	[sflag:s21] =	ssyncset.done $0x0  }
0xa2: {  	[sflag:s21] =	ssyncadd.s32 $0xFFFFD800  }
0xa3: {  	_ =	swait.ge [sflag:s30], $0x2800  }
0xa4: {  	[sflag:s30] =	ssyncset.done $0x0  }
0xa5: {  	s4 =	simm.s32 $0x4DF0;
	[sflag:s30] =	ssyncadd.s32 $0xFFFFD800  }
0xa6: {  	[spmem:s3] =	stream.indirect.scatter.add.f32 [tilespmem:s23], [sflag:$0x4], $0x80, s4, s24, $0xb8;
	[tilespmem:$0x1FF80] =	vst v63  }
0xa7: {  	_ =	swait.ge [sflag:s21], $0x2800  }
0xa8: {  	[sflag:s21] =	ssyncset.done $0x0  }
0xa9: {  	[sflag:s21] =	ssyncadd.s32 $0xFFFFD800  }
0xaa: {  	_ =	swait.ge [sflag:s31], $0x2800  }
0xab: {  	[sflag:s31] =	ssyncset.done $0x0  }
0xac: {  	s22 =	simm.s32 $0x4E40;
	[sflag:s31] =	ssyncadd.s32 $0xFFFFD800  }
0xad: {  	[spmem:s3] =	stream.indirect.scatter.add.f32 [tilespmem:s26], [sflag:$0x4], $0x80, s22, s24, $0xb8;
	[tilespmem:$0x1FF80] =	vst v63  }
0xae: {  	_ =	swait.ge [sflag:s21], $0x2800  }
0xaf: {  	[sflag:s21] =	ssyncset.done $0x0  }
0xb0: {  	[sflag:s21] =	ssyncadd.s32 $0xFFFFD800  }
0xb1: {  	s1 =	simm.s32 @p0 $0x1FC4;
	[bflag:$0x0] =	sbarrier.arrive $0xFFFF  }
0xb2: {  	[hbm:s17], [sflag:s1] =	dma.local @p0 [spmem:s25], $0x2800  }
0xb3: {  	s1 =	simm.s32 @p0 $0x4  }
0xb4: {  	s28 =	sadd.s32 $0x1, s28;
	s4 =	stileid.u32;
	_ =	swait.ge @p0 [sflag:s1], $0x2800  }
0xb5: {  	p1 =	sne.s32 s28, s18;
	s4 =	sshll.u32 @!p0 s4, $0x6;
	[sflag:s1] =	ssyncset.done @p0 $0x0  }
0xb6: {  	[sflag:s1] =	ssyncadd.s32 @p0 $0xFFFFD800;
	s1 =	sor.u32 @!p0 $0x1C04, s4;
	s4 =	sshrl.u32 @!p0 s7, $0x3  }
0xb7: {  	[hbm:s16], [sflag:s1] =	dma.local @!p0 [spmem:s4], $0x2700  }
.Ltmp2:
0xb8: {  	_ = 	snop;
	(pc) =	sbr.rel @p1 .LBB2_1-.Ltmp2, $4  }
0xb9: {  	s1 =	simm.s32 @!p0 $0x4  }
0xba: {  	_ =	swait.ge @!p0 [sflag:s1], $0x2700  }
0xbb: {  	[sflag:s1] =	ssyncset.done @!p0 $0x0  }
0xbc: {  	[sflag:s1] =	ssyncadd.s32 @!p0 $0xFFFFD900  }
0xbd: {  	_ =	sfence.sel $0x180000  }
0xbe: {  	[bflag:$0x0] =	sbarrier.arrive $0xFFFF  }
0xbf: {  	_ =	strace $0x90000047  }
0xc0: {  	s0 =	stileid.u32;
	[bflag:$0x2] =	sbarrier.arrive $0xFFFF  }
0xc1: {  	p0 =	sne.s32 s0, $0x0;
	s0 =	rddreg [dreg:$0x4]  }
0xc2: {  	s0 =	sadd.s32 @!p0 $0x100000, s0  }
0xc3: {  	[sflag:s0] =	ssyncadd.tile.s32 @!p0 $0x1;
	_ =	shalt  }
.Lfunc_end2:
_tile_overlayer_lowered:
.L_overlay_start_2:
0xc4: {  	(tag) =	ssettag $0x2  }
0xc5: {  	s0 =	rddreg [dreg:$0x0];
	s2 =	stileid.u32  }
0xc6: {  	s1 =	rddreg [dreg:$0x1];
	p0 =	sne.s32 s2, $0x0  }
0xc7: {  	s3 =	rddreg [dreg:$0x2];
	[bflag:$0x3] =	sbarrier.arrive $0xFFFF;
	s2 =	simm.s32 @!p0 $0x1C04  }
0xc8: {  	[timem:s3], [sflag:s2] =	dma.local @!p0 [hbm:s0], s1  }
0xc9: {  	s0 =	simm.s32 @!p0 $0x4  }
0xca: {  	_ =	swait.ge @!p0 [sflag:s0], s1  }
0xcb: {  	s1 =	ssub.s32 @!p0 $0x0, s1;
	[sflag:s0] =	ssyncset.done @!p0 $0x0  }
0xcc: {  	[sflag:s0] =	ssyncadd.s32 @!p0 s1  }
0xcd: {  	[bflag:$0x3] =	sbarrier.arrive $0xFFFF  }
0xce: {  	_ =	shalt  }

</sc_bundles>
